<compile_context>
chip_gen: v7x
topology: tpu7x:2x2x1
jax: 0.10.2.dev20260603
libtpu: 0.0.44.dev20260713+nightly
codegen_flags: <defaults>
</compile_context>

<pallas_src>
import jax
import jax.numpy as jnp
from jax import lax
from jax.experimental import pallas as pl
from jax.experimental.pallas import tpu as pltpu
from jax.experimental.pallas import tpu_sc as plsc

K = 100000
D = 128
L = 16
NW = 16
NPW = 6256
NPW_LAST = K - (NW - 1) * NPW
NV = NPW // L
NV_LAST = NPW_LAST // L
NACC = 4
UN = 8
NB = (NV - NACC) // UN
NB_LAST = (NV_LAST - NACC) // UN


def _lexmax(v1, i1, v2, i2):
    upd = (v2 > v1) | ((v2 == v1) & (i2 < i1))
    return jnp.where(upd, v2, v1), jnp.where(upd, i2, i1)


def _lexmin(v1, i1, v2, i2):
    upd = (v2 < v1) | ((v2 == v1) & (i2 < i1))
    return jnp.where(upd, v2, v1), jnp.where(upd, i2, i1)


def _sc_body(x_hbm, refs_hbm, posc_hbm, pcorl_hbm, negc_hbm, ncorl_hbm,
             stage_hbm, x_v, cand_v, all_v, idx_v, valsv_v, rows_v,
             sem, gsem):
    wid = lax.axis_index("s")
    base = wid * NPW
    last = wid == NW - 1

    @pl.when(jnp.logical_not(last))
    def _():
        pltpu.sync_copy(x_hbm.at[pl.ds(base, NPW)], x_v.at[pl.ds(0, NPW)])

    @pl.when(last)
    def _():
        pltpu.sync_copy(x_hbm.at[pl.ds(base, NPW_LAST)],
                        x_v.at[pl.ds(0, NPW_LAST)])

    lane = lax.iota(jnp.int32, L)
    flane = lane.astype(jnp.float32)
    fbase = base.astype(jnp.float32) + flane

    def step(j, jf, acc):
        maxv, maxj, minv, minj = acc
        v = x_v[pl.ds(j * L, L)]
        gt = v > maxv
        maxv = jnp.where(gt, v, maxv)
        maxj = jnp.where(gt, jf, maxj)
        lt = v < minv
        minv = jnp.where(lt, v, minv)
        minj = jnp.where(lt, jf, minj)
        return maxv, maxj, minv, minj

    accs = []
    for a in range(NACC):
        va = x_v[pl.ds(a * L, L)]
        ja = jnp.full((L,), float(a), jnp.float32)
        accs.append((va, ja, va, ja))

    def block(b, carry):
        accs = [tuple(carry[4 * a + t] for t in range(4)) for a in range(NACC)]
        j0 = NACC + b * UN
        jf0 = j0.astype(jnp.float32)
        for u in range(UN):
            a = u % NACC
            accs[a] = step(j0 + u, jf0 + float(u), accs[a])
        return tuple(x for acc in accs for x in acc)

    init = tuple(x for acc in accs for x in acc)
    nb = jnp.where(last, NB_LAST, NB)
    carry = lax.fori_loop(0, nb, block, init)

    def tail_step(j, carry):
        acc0 = tuple(carry[:4])
        acc0 = step(j, j.astype(jnp.float32), acc0)
        return acc0 + tuple(carry[4:])

    nv = jnp.where(last, NV_LAST, NV)
    carry = lax.fori_loop(NACC + UN * nb, nv, tail_step, carry)
    accs = [tuple(carry[4 * a + t] for t in range(4)) for a in range(NACC)]

    sixteen = jnp.float32(16.0)
    mxv, mxi = accs[0][0], accs[0][1] * sixteen + fbase
    mnv, mni = accs[0][2], accs[0][3] * sixteen + fbase
    for a in range(1, NACC):
        av, aj, iv, ij = accs[a]
        mxv, mxi = _lexmax(mxv, mxi, av, aj * sixteen + fbase)
        mnv, mni = _lexmin(mnv, mni, iv, ij * sixteen + fbase)

    cand_v[0, :] = mxv
    cand_v[1, :] = mxi
    cand_v[2, :] = mnv
    cand_v[3, :] = mni
    pltpu.sync_copy(cand_v, stage_hbm.at[wid])
    plsc.subcore_barrier()

    @pl.when(wid == 0)
    def _():
        pltpu.sync_copy(stage_hbm, all_v)
        gmaxv = all_v[0, 0, :]
        gmaxi = all_v[0, 1, :]
        gminv = all_v[0, 2, :]
        gmini = all_v[0, 3, :]
        for w in range(1, NW):
            gmaxv, gmaxi = _lexmax(gmaxv, gmaxi, all_v[w, 0, :], all_v[w, 1, :])
            gminv, gmini = _lexmin(gminv, gmini, all_v[w, 2, :], all_v[w, 3, :])

        for sh in (8, 4, 2, 1):
            perm = (lane + sh) & (L - 1)
            gmaxv, gmaxi = _lexmax(gmaxv, gmaxi, gmaxv[perm], gmaxi[perm])
            gminv, gmini = _lexmin(gminv, gmini, gminv[perm], gmini[perm])

        valsv_v[...] = jnp.where(lane == 0, gmaxv,
                                 jnp.where(lane == 8, gminv, 0.0))
        idx_v[...] = jnp.where(lane == 0, gmaxi.astype(jnp.int32),
                               jnp.where(lane == 1, gmini.astype(jnp.int32),
                                         0))
        c1 = pltpu.async_copy(valsv_v.at[pl.ds(0, 1)], pcorl_hbm, sem)
        c2 = pltpu.async_copy(valsv_v.at[pl.ds(8, 1)], ncorl_hbm, sem)
        g = pltpu.async_copy(refs_hbm.at[idx_v], rows_v, gsem)
        g.wait()
        c3 = pltpu.async_copy(rows_v.at[0], posc_hbm, sem)
        c4 = pltpu.async_copy(rows_v.at[1], negc_hbm, sem)
        c1.wait()
        c2.wait()
        c3.wait()
        c4.wait()


@jax.jit
def _infer(x, refs):
    mesh = plsc.VectorSubcoreMesh(
        core_axis_name="c", subcore_axis_name="s",
        num_cores=1, num_subcores=NW)
    f = pl.kernel(
        _sc_body,
        out_type=(
            jax.ShapeDtypeStruct((D,), jnp.float32),
            jax.ShapeDtypeStruct((1,), jnp.float32),
            jax.ShapeDtypeStruct((D,), jnp.float32),
            jax.ShapeDtypeStruct((1,), jnp.float32),
            jax.ShapeDtypeStruct((NW, 4, L), jnp.float32),
        ),
        mesh=mesh,
        scratch_types=[
            pltpu.VMEM((NPW,), jnp.float32),
            pltpu.VMEM((4, L), jnp.float32),
            pltpu.VMEM((NW, 4, L), jnp.float32),
            pltpu.VMEM((L,), jnp.int32),
            pltpu.VMEM((L,), jnp.float32),
            pltpu.VMEM((L, D), jnp.float32),
            pltpu.SemaphoreType.DMA,
            pltpu.SemaphoreType.DMA,
        ],
    )
    return f(x, refs)


def kernel(inputs, refs):
    posc, pcorl, negc, ncorl, _ = _infer(inputs, refs)
    return posc, jnp.reshape(pcorl, ()), negc, jnp.reshape(ncorl, ())

# --- scband reference (transcript-rebuilt; emitter-appended) ---
"""Pipeline reference for scband-infer-2800318677697 (READ-ONLY COPY).

The authoritative reference and input builder live on the scoring server;
editing this copy changes nothing except your own understanding.
"""

import jax, jax.numpy as jnp
import numpy as np

K = 100000
D = 128

def setup_inputs(seed: int = 0) -> dict:
    key = jax.random.key(seed)
    k1, k2 = jax.random.split(key, 2)
    inputs = jax.random.normal(k1, (K,), dtype=jnp.float32)
    # learned / externally-set reference codebook self.refs: [K, D]
    refs = jax.random.normal(k2, (K, D), dtype=jnp.float32)
    return {"inputs": inputs, "refs": refs}

def reference(inputs, refs):
    # tf.argmax / tf.argmin over a 1-D tensor -> scalar index
    pos_idx = jnp.argmax(inputs)
    neg_idx = jnp.argmin(inputs)
    # tf.gather(refs, scalar_idx) -> row of refs
    posc = jnp.take(refs, pos_idx, axis=0)
    pcorl = jnp.take(inputs, pos_idx, axis=0)
    negc = jnp.take(refs, neg_idx, axis=0)
    ncorl = jnp.take(inputs, neg_idx, axis=0)
    return (posc, pcorl, negc, ncorl)

if __name__ == "__main__":
    import jax
    _d = setup_inputs()
    print(jax.jit(kernel)(*tuple(_d.values())))

</pallas_src>

<mosaic_0001>
#map = affine_map<(d0, d1) -> (0)>
#map1 = affine_map<(d0, d1) -> (0, 0)>
#map2 = affine_map<(d0, d1) -> (0, 0, 0)>
module attributes {stable_mosaic.version = 14 : i64} {
  func.func @_sc_body(%arg0: i32, %arg1: i32, %arg2: memref<100000xf32, #tpu.memory_space<hbm>>, %arg3: memref<100000x128xf32, #tpu.memory_space<hbm>>, %arg4: memref<128xf32, #tpu.memory_space<hbm>>, %arg5: memref<1xf32, #tpu.memory_space<hbm>>, %arg6: memref<128xf32, #tpu.memory_space<hbm>>, %arg7: memref<1xf32, #tpu.memory_space<hbm>>, %arg8: memref<16x4x16xf32, #tpu.memory_space<hbm>>, %arg9: memref<6256xf32, #tpu.memory_space<vmem>>, %arg10: memref<4x16xf32, #tpu.memory_space<vmem>>, %arg11: memref<16x4x16xf32, #tpu.memory_space<vmem>>, %arg12: memref<16xi32, #tpu.memory_space<vmem>>, %arg13: memref<16xf32, #tpu.memory_space<vmem>>, %arg14: memref<16x128xf32, #tpu.memory_space<vmem>>, %arg15: memref<!tpu.dma_semaphore, #tpu.memory_space<semaphore_mem>>, %arg16: memref<!tpu.dma_semaphore, #tpu.memory_space<semaphore_mem>>) attributes {dimension_semantics = [#tpu.dimension_semantics<core_parallel>, #tpu.dimension_semantics<subcore_parallel>], iteration_bounds = array<i64: 1, 16>, scalar_prefetch = 0 : i64, scratch_operands = 8 : i64, tpu.core_type = #tpu.core_type<sc_vector_subcore>, window_params = [{transform_indices = #map}, {transform_indices = #map1}, {transform_indices = #map}, {transform_indices = #map}, {transform_indices = #map}, {transform_indices = #map}, {transform_indices = #map2}]} {
    %mul3A = arith.constant 6256 : i32
    %mul3A_0 = arith.muli %arg1, %mul3A : i32
    %eq3A = arith.constant 15 : i32
    %eq3A_1 = arith.cmpi eq, %arg1, %eq3A : i32
    %not3A = arith.constant true
    %not3A_2 = arith.xori %eq3A_1, %not3A : i1
    %convert_element_type3A = arith.extui %not3A_2 : i1 to i32
    %cond3A = arith.constant 0 : i32
    %cond3A_3 = arith.cmpi ne, %convert_element_type3A, %cond3A : i32
    scf.if %cond3A_3 {
      "tpu.region"() ({
        %run_scoped3A = tpu.sem_alloc : memref<!tpu.dma_semaphore, #tpu.memory_space<semaphore_mem>>
        %dma_start3A = arith.constant 0 : i32
        %dma_start3A_154 = tpu.memref_slice %arg9[%dma_start3A] : memref<6256xf32, #tpu.memory_space<vmem>> -> memref<6256xf32, #tpu.memory_space<vmem>>
        %dma_start3A_155 = tpu.memref_slice %arg2[%mul3A_0] : memref<100000xf32, #tpu.memory_space<hbm>> -> memref<6256xf32, #tpu.memory_space<hbm>>
        %dma_start3A_156 = arith.constant 0 : i32
        %dma_start3A_157 = tpu.memref_slice %arg9[%dma_start3A_156] : memref<6256xf32, #tpu.memory_space<vmem>> -> memref<6256xf32, #tpu.memory_space<vmem>>
        %dma_start3A_158 = tpu.memref_slice %arg2[%mul3A_0] : memref<100000xf32, #tpu.memory_space<hbm>> -> memref<6256xf32, #tpu.memory_space<hbm>>
        tpu.enqueue_dma source(%dma_start3A_158 : memref<6256xf32, #tpu.memory_space<hbm>>) target(%dma_start3A_157 : memref<6256xf32, #tpu.memory_space<vmem>>) target_semaphore(%run_scoped3A : memref<!tpu.dma_semaphore, #tpu.memory_space<semaphore_mem>>)
        %dma_wait3A = arith.constant 0 : i32
        %dma_wait3A_159 = tpu.memref_slice %arg9[%dma_wait3A] : memref<6256xf32, #tpu.memory_space<vmem>> -> memref<6256xf32, #tpu.memory_space<vmem>>
        %dma_wait3A_160 = tpu.memref_slice %arg2[%mul3A_0] : memref<100000xf32, #tpu.memory_space<hbm>> -> memref<6256xf32, #tpu.memory_space<hbm>>
        %dma_wait3A_161 = arith.constant 0 : i32
        %dma_wait3A_162 = tpu.memref_slice %arg9[%dma_wait3A_161] : memref<6256xf32, #tpu.memory_space<vmem>> -> memref<6256xf32, #tpu.memory_space<vmem>>
        %dma_wait3A_163 = tpu.memref_slice %arg2[%mul3A_0] : memref<100000xf32, #tpu.memory_space<hbm>> -> memref<6256xf32, #tpu.memory_space<hbm>>
        tpu.wait_dma2 semaphore(%run_scoped3A : memref<!tpu.dma_semaphore, #tpu.memory_space<semaphore_mem>>) src(%dma_wait3A_163 : memref<6256xf32, #tpu.memory_space<hbm>>) dst(%dma_wait3A_162 : memref<6256xf32, #tpu.memory_space<vmem>>)
        tpu.yield
      }) : () -> ()
    } else {
    }
    %convert_element_type3A_4 = arith.extui %eq3A_1 : i1 to i32
    %cond3A_5 = arith.constant 0 : i32
    %cond3A_6 = arith.cmpi ne, %convert_element_type3A_4, %cond3A_5 : i32
    scf.if %cond3A_6 {
      "tpu.region"() ({
        %run_scoped3A = tpu.sem_alloc : memref<!tpu.dma_semaphore, #tpu.memory_space<semaphore_mem>>
        %dma_start3A = arith.constant 0 : i32
        %dma_start3A_154 = tpu.memref_slice %arg9[%dma_start3A] : memref<6256xf32, #tpu.memory_space<vmem>> -> memref<6160xf32, #tpu.memory_space<vmem>>
        %dma_start3A_155 = tpu.memref_slice %arg2[%mul3A_0] : memref<100000xf32, #tpu.memory_space<hbm>> -> memref<6160xf32, #tpu.memory_space<hbm>>
        %dma_start3A_156 = arith.constant 0 : i32
        %dma_start3A_157 = tpu.memref_slice %arg9[%dma_start3A_156] : memref<6256xf32, #tpu.memory_space<vmem>> -> memref<6160xf32, #tpu.memory_space<vmem>>
        %dma_start3A_158 = tpu.memref_slice %arg2[%mul3A_0] : memref<100000xf32, #tpu.memory_space<hbm>> -> memref<6160xf32, #tpu.memory_space<hbm>>
        tpu.enqueue_dma source(%dma_start3A_158 : memref<6160xf32, #tpu.memory_space<hbm>>) target(%dma_start3A_157 : memref<6160xf32, #tpu.memory_space<vmem>>) target_semaphore(%run_scoped3A : memref<!tpu.dma_semaphore, #tpu.memory_space<semaphore_mem>>)
        %dma_wait3A = arith.constant 0 : i32
        %dma_wait3A_159 = tpu.memref_slice %arg9[%dma_wait3A] : memref<6256xf32, #tpu.memory_space<vmem>> -> memref<6160xf32, #tpu.memory_space<vmem>>
        %dma_wait3A_160 = tpu.memref_slice %arg2[%mul3A_0] : memref<100000xf32, #tpu.memory_space<hbm>> -> memref<6160xf32, #tpu.memory_space<hbm>>
        %dma_wait3A_161 = arith.constant 0 : i32
        %dma_wait3A_162 = tpu.memref_slice %arg9[%dma_wait3A_161] : memref<6256xf32, #tpu.memory_space<vmem>> -> memref<6160xf32, #tpu.memory_space<vmem>>
        %dma_wait3A_163 = tpu.memref_slice %arg2[%mul3A_0] : memref<100000xf32, #tpu.memory_space<hbm>> -> memref<6160xf32, #tpu.memory_space<hbm>>
        tpu.wait_dma2 semaphore(%run_scoped3A : memref<!tpu.dma_semaphore, #tpu.memory_space<semaphore_mem>>) src(%dma_wait3A_163 : memref<6160xf32, #tpu.memory_space<hbm>>) dst(%dma_wait3A_162 : memref<6160xf32, #tpu.memory_space<vmem>>)
        tpu.yield
      }) : () -> ()
    } else {
    }
    %iota3A = tpu.iota {dimensions = array<i32: 0>} : vector<16xi32>
    %convert_element_type3A_7 = arith.sitofp %iota3A : vector<16xi32> to vector<16xf32>
    %convert_element_type3A_8 = arith.sitofp %mul3A_0 : i32 to f32
    %add3A = vector.broadcast %convert_element_type3A_8 : f32 to vector<16xf32>
    %add3A_9 = arith.addf %add3A, %convert_element_type3A_7 : vector<16xf32>
    %get3A = arith.constant 0 : index
    %get3A_10 = tpu.vector_load %arg9[%get3A] {strides = array<i32>} : memref<6256xf32, #tpu.memory_space<vmem>>, vector<16xf32>,
    %get3A_11 = vector.shape_cast %get3A_10 : vector<16xf32> to vector<16xf32>
    %broadcast_in_dim3A = arith.constant 0.000000e+00 : f32
    %broadcast_in_dim3A_12 = vector.broadcast %broadcast_in_dim3A : f32 to vector<16xf32>
    %get3A_13 = arith.constant 16 : index
    %get3A_14 = tpu.vector_load %arg9[%get3A_13] {strides = array<i32>} : memref<6256xf32, #tpu.memory_space<vmem>>, vector<16xf32>,
    %get3A_15 = vector.shape_cast %get3A_14 : vector<16xf32> to vector<16xf32>
    %broadcast_in_dim3A_16 = arith.constant 1.000000e+00 : f32
    %broadcast_in_dim3A_17 = vector.broadcast %broadcast_in_dim3A_16 : f32 to vector<16xf32>
    %get3A_18 = arith.constant 32 : index
    %get3A_19 = tpu.vector_load %arg9[%get3A_18] {strides = array<i32>} : memref<6256xf32, #tpu.memory_space<vmem>>, vector<16xf32>,
    %get3A_20 = vector.shape_cast %get3A_19 : vector<16xf32> to vector<16xf32>
    %broadcast_in_dim3A_21 = arith.constant 2.000000e+00 : f32
    %broadcast_in_dim3A_22 = vector.broadcast %broadcast_in_dim3A_21 : f32 to vector<16xf32>
    %get3A_23 = arith.constant 48 : index
    %get3A_24 = tpu.vector_load %arg9[%get3A_23] {strides = array<i32>} : memref<6256xf32, #tpu.memory_space<vmem>>, vector<16xf32>,
    %get3A_25 = vector.shape_cast %get3A_24 : vector<16xf32> to vector<16xf32>
    %broadcast_in_dim3A_26 = arith.constant 3.000000e+00 : f32
    %broadcast_in_dim3A_27 = vector.broadcast %broadcast_in_dim3A_26 : f32 to vector<16xf32>
    %jit3A = arith.constant 47 : i32
    %jit3A_28 = arith.constant 48 : i32
    %select_n3A = arith.select %eq3A_1, %jit3A, %jit3A_28 : i32
    %while3A = arith.constant 0 : i32
    %while3A_29 = arith.subi %select_n3A, %while3A : i32
    %while3A_30 = arith.addi %while3A, %while3A_29 : i32
    %while3A_31 = arith.constant 1 : i32
    %while3A_32 = arith.divsi %while3A_29, %while3A_31 : i32
    %while3A_33 = arith.muli %while3A_32, %while3A_31 : i32
    %while3A_34 = arith.addi %while3A, %while3A_33 : i32
    %while3A_35 = arith.constant 1 : i32
    %while3A_36:16 = scf.for %while3A_154 = %while3A to %while3A_34 step %while3A_35 iter_args(%while3A_155 = %get3A_11, %while3A_156 = %broadcast_in_dim3A_12, %while3A_157 = %get3A_11, %while3A_158 = %broadcast_in_dim3A_12, %while3A_159 = %get3A_15, %while3A_160 = %broadcast_in_dim3A_17, %while3A_161 = %get3A_15, %while3A_162 = %broadcast_in_dim3A_17, %while3A_163 = %get3A_20, %while3A_164 = %broadcast_in_dim3A_22, %while3A_165 = %get3A_20, %while3A_166 = %broadcast_in_dim3A_22, %while3A_167 = %get3A_25, %while3A_168 = %broadcast_in_dim3A_27, %while3A_169 = %get3A_25, %while3A_170 = %broadcast_in_dim3A_27) -> (vector<16xf32>, vector<16xf32>, vector<16xf32>, vector<16xf32>, vector<16xf32>, vector<16xf32>, vector<16xf32>, vector<16xf32>, vector<16xf32>, vector<16xf32>, vector<16xf32>, vector<16xf32>, vector<16xf32>, vector<16xf32>, vector<16xf32>, vector<16xf32>)  : i32 {
      %mul3A_171 = arith.constant 8 : i32
      %mul3A_172 = arith.muli %while3A_154, %mul3A_171 : i32
      %add3A_173 = arith.constant 4 : i32
      %add3A_174 = arith.addi %add3A_173, %mul3A_172 : i32
      %convert_element_type3A_175 = arith.sitofp %add3A_174 : i32 to f32
      %add3A_176 = arith.constant 0 : i32
      %add3A_177 = arith.addi %add3A_174, %add3A_176 : i32
      %add3A_178 = arith.constant 0.000000e+00 : f32
      %add3A_179 = arith.addf %convert_element_type3A_175, %add3A_178 : f32
      %mul3A_180 = arith.constant 16 : i32
      %mul3A_181 = arith.muli %add3A_177, %mul3A_180 : i32
      %get3A_182 = arith.index_cast %mul3A_181 : i32 to index
      %get3A_183 = tpu.vector_load %arg9[%get3A_182] {strides = array<i32>} : memref<6256xf32, #tpu.memory_space<vmem>>, vector<16xf32>,
      %get3A_184 = vector.shape_cast %get3A_183 : vector<16xf32> to vector<16xf32>
      %gt3A_185 = arith.cmpf ogt, %get3A_184, %while3A_155 : vector<16xf32>
      %select_n3A_186 = arith.select %gt3A_185, %get3A_184, %while3A_155 : vector<16xi1>, vector<16xf32>
      %broadcast_in_dim3A_187 = vector.broadcast %add3A_179 : f32 to vector<16xf32>
      %select_n3A_188 = arith.select %gt3A_185, %broadcast_in_dim3A_187, %while3A_156 : vector<16xi1>, vector<16xf32>
      %lt3A_189 = arith.cmpf olt, %get3A_184, %while3A_157 : vector<16xf32>
      %select_n3A_190 = arith.select %lt3A_189, %get3A_184, %while3A_157 : vector<16xi1>, vector<16xf32>
      %broadcast_in_dim3A_191 = vector.broadcast %add3A_179 : f32 to vector<16xf32>
      %select_n3A_192 = arith.select %lt3A_189, %broadcast_in_dim3A_191, %while3A_158 : vector<16xi1>, vector<16xf32>
      %add3A_193 = arith.constant 1 : i32
      %add3A_194 = arith.addi %add3A_174, %add3A_193 : i32
      %add3A_195 = arith.constant 1.000000e+00 : f32
      %add3A_196 = arith.addf %convert_element_type3A_175, %add3A_195 : f32
      %mul3A_197 = arith.constant 16 : i32
      %mul3A_198 = arith.muli %add3A_194, %mul3A_197 : i32
      %get3A_199 = arith.index_cast %mul3A_198 : i32 to index
      %get3A_200 = tpu.vector_load %arg9[%get3A_199] {strides = array<i32>} : memref<6256xf32, #tpu.memory_space<vmem>>, vector<16xf32>,
      %get3A_201 = vector.shape_cast %get3A_200 : vector<16xf32> to vector<16xf32>
      %gt3A_202 = arith.cmpf ogt, %get3A_201, %while3A_159 : vector<16xf32>
      %select_n3A_203 = arith.select %gt3A_202, %get3A_201, %while3A_159 : vector<16xi1>, vector<16xf32>
      %broadcast_in_dim3A_204 = vector.broadcast %add3A_196 : f32 to vector<16xf32>
      %select_n3A_205 = arith.select %gt3A_202, %broadcast_in_dim3A_204, %while3A_160 : vector<16xi1>, vector<16xf32>
      %lt3A_206 = arith.cmpf olt, %get3A_201, %while3A_161 : vector<16xf32>
      %select_n3A_207 = arith.select %lt3A_206, %get3A_201, %while3A_161 : vector<16xi1>, vector<16xf32>
      %broadcast_in_dim3A_208 = vector.broadcast %add3A_196 : f32 to vector<16xf32>
      %select_n3A_209 = arith.select %lt3A_206, %broadcast_in_dim3A_208, %while3A_162 : vector<16xi1>, vector<16xf32>
      %add3A_210 = arith.constant 2 : i32
      %add3A_211 = arith.addi %add3A_174, %add3A_210 : i32
      %add3A_212 = arith.constant 2.000000e+00 : f32
      %add3A_213 = arith.addf %convert_element_type3A_175, %add3A_212 : f32
      %mul3A_214 = arith.constant 16 : i32
      %mul3A_215 = arith.muli %add3A_211, %mul3A_214 : i32
      %get3A_216 = arith.index_cast %mul3A_215 : i32 to index
      %get3A_217 = tpu.vector_load %arg9[%get3A_216] {strides = array<i32>} : memref<6256xf32, #tpu.memory_space<vmem>>, vector<16xf32>,
      %get3A_218 = vector.shape_cast %get3A_217 : vector<16xf32> to vector<16xf32>
      %gt3A_219 = arith.cmpf ogt, %get3A_218, %while3A_163 : vector<16xf32>
      %select_n3A_220 = arith.select %gt3A_219, %get3A_218, %while3A_163 : vector<16xi1>, vector<16xf32>
      %broadcast_in_dim3A_221 = vector.broadcast %add3A_213 : f32 to vector<16xf32>
      %select_n3A_222 = arith.select %gt3A_219, %broadcast_in_dim3A_221, %while3A_164 : vector<16xi1>, vector<16xf32>
      %lt3A_223 = arith.cmpf olt, %get3A_218, %while3A_165 : vector<16xf32>
      %select_n3A_224 = arith.select %lt3A_223, %get3A_218, %while3A_165 : vector<16xi1>, vector<16xf32>
      %broadcast_in_dim3A_225 = vector.broadcast %add3A_213 : f32 to vector<16xf32>
      %select_n3A_226 = arith.select %lt3A_223, %broadcast_in_dim3A_225, %while3A_166 : vector<16xi1>, vector<16xf32>
      %add3A_227 = arith.constant 3 : i32
      %add3A_228 = arith.addi %add3A_174, %add3A_227 : i32
      %add3A_229 = arith.constant 3.000000e+00 : f32
      %add3A_230 = arith.addf %convert_element_type3A_175, %add3A_229 : f32
      %mul3A_231 = arith.constant 16 : i32
      %mul3A_232 = arith.muli %add3A_228, %mul3A_231 : i32
      %get3A_233 = arith.index_cast %mul3A_232 : i32 to index
      %get3A_234 = tpu.vector_load %arg9[%get3A_233] {strides = array<i32>} : memref<6256xf32, #tpu.memory_space<vmem>>, vector<16xf32>,
      %get3A_235 = vector.shape_cast %get3A_234 : vector<16xf32> to vector<16xf32>
      %gt3A_236 = arith.cmpf ogt, %get3A_235, %while3A_167 : vector<16xf32>
      %select_n3A_237 = arith.select %gt3A_236, %get3A_235, %while3A_167 : vector<16xi1>, vector<16xf32>
      %broadcast_in_dim3A_238 = vector.broadcast %add3A_230 : f32 to vector<16xf32>
      %select_n3A_239 = arith.select %gt3A_236, %broadcast_in_dim3A_238, %while3A_168 : vector<16xi1>, vector<16xf32>
      %lt3A_240 = arith.cmpf olt, %get3A_235, %while3A_169 : vector<16xf32>
      %select_n3A_241 = arith.select %lt3A_240, %get3A_235, %while3A_169 : vector<16xi1>, vector<16xf32>
      %broadcast_in_dim3A_242 = vector.broadcast %add3A_230 : f32 to vector<16xf32>
      %select_n3A_243 = arith.select %lt3A_240, %broadcast_in_dim3A_242, %while3A_170 : vector<16xi1>, vector<16xf32>
      %add3A_244 = arith.constant 4 : i32
      %add3A_245 = arith.addi %add3A_174, %add3A_244 : i32
      %add3A_246 = arith.constant 4.000000e+00 : f32
      %add3A_247 = arith.addf %convert_element_type3A_175, %add3A_246 : f32
      %mul3A_248 = arith.constant 16 : i32
      %mul3A_249 = arith.muli %add3A_245, %mul3A_248 : i32
      %get3A_250 = arith.index_cast %mul3A_249 : i32 to index
      %get3A_251 = tpu.vector_load %arg9[%get3A_250] {strides = array<i32>} : memref<6256xf32, #tpu.memory_space<vmem>>, vector<16xf32>,
      %get3A_252 = vector.shape_cast %get3A_251 : vector<16xf32> to vector<16xf32>
      %gt3A_253 = arith.cmpf ogt, %get3A_252, %select_n3A_186 : vector<16xf32>
      %select_n3A_254 = arith.select %gt3A_253, %get3A_252, %select_n3A_186 : vector<16xi1>, vector<16xf32>
      %broadcast_in_dim3A_255 = vector.broadcast %add3A_247 : f32 to vector<16xf32>
      %select_n3A_256 = arith.select %gt3A_253, %broadcast_in_dim3A_255, %select_n3A_188 : vector<16xi1>, vector<16xf32>
      %lt3A_257 = arith.cmpf olt, %get3A_252, %select_n3A_190 : vector<16xf32>
      %select_n3A_258 = arith.select %lt3A_257, %get3A_252, %select_n3A_190 : vector<16xi1>, vector<16xf32>
      %broadcast_in_dim3A_259 = vector.broadcast %add3A_247 : f32 to vector<16xf32>
      %select_n3A_260 = arith.select %lt3A_257, %broadcast_in_dim3A_259, %select_n3A_192 : vector<16xi1>, vector<16xf32>
      %add3A_261 = arith.constant 5 : i32
      %add3A_262 = arith.addi %add3A_174, %add3A_261 : i32
      %add3A_263 = arith.constant 5.000000e+00 : f32
      %add3A_264 = arith.addf %convert_element_type3A_175, %add3A_263 : f32
      %mul3A_265 = arith.constant 16 : i32
      %mul3A_266 = arith.muli %add3A_262, %mul3A_265 : i32
      %get3A_267 = arith.index_cast %mul3A_266 : i32 to index
      %get3A_268 = tpu.vector_load %arg9[%get3A_267] {strides = array<i32>} : memref<6256xf32, #tpu.memory_space<vmem>>, vector<16xf32>,
      %get3A_269 = vector.shape_cast %get3A_268 : vector<16xf32> to vector<16xf32>
      %gt3A_270 = arith.cmpf ogt, %get3A_269, %select_n3A_203 : vector<16xf32>
      %select_n3A_271 = arith.select %gt3A_270, %get3A_269, %select_n3A_203 : vector<16xi1>, vector<16xf32>
      %broadcast_in_dim3A_272 = vector.broadcast %add3A_264 : f32 to vector<16xf32>
      %select_n3A_273 = arith.select %gt3A_270, %broadcast_in_dim3A_272, %select_n3A_205 : vector<16xi1>, vector<16xf32>
      %lt3A_274 = arith.cmpf olt, %get3A_269, %select_n3A_207 : vector<16xf32>
      %select_n3A_275 = arith.select %lt3A_274, %get3A_269, %select_n3A_207 : vector<16xi1>, vector<16xf32>
      %broadcast_in_dim3A_276 = vector.broadcast %add3A_264 : f32 to vector<16xf32>
      %select_n3A_277 = arith.select %lt3A_274, %broadcast_in_dim3A_276, %select_n3A_209 : vector<16xi1>, vector<16xf32>
      %add3A_278 = arith.constant 6 : i32
      %add3A_279 = arith.addi %add3A_174, %add3A_278 : i32
      %add3A_280 = arith.constant 6.000000e+00 : f32
      %add3A_281 = arith.addf %convert_element_type3A_175, %add3A_280 : f32
      %mul3A_282 = arith.constant 16 : i32
      %mul3A_283 = arith.muli %add3A_279, %mul3A_282 : i32
      %get3A_284 = arith.index_cast %mul3A_283 : i32 to index
      %get3A_285 = tpu.vector_load %arg9[%get3A_284] {strides = array<i32>} : memref<6256xf32, #tpu.memory_space<vmem>>, vector<16xf32>,
      %get3A_286 = vector.shape_cast %get3A_285 : vector<16xf32> to vector<16xf32>
      %gt3A_287 = arith.cmpf ogt, %get3A_286, %select_n3A_220 : vector<16xf32>
      %select_n3A_288 = arith.select %gt3A_287, %get3A_286, %select_n3A_220 : vector<16xi1>, vector<16xf32>
      %broadcast_in_dim3A_289 = vector.broadcast %add3A_281 : f32 to vector<16xf32>
      %select_n3A_290 = arith.select %gt3A_287, %broadcast_in_dim3A_289, %select_n3A_222 : vector<16xi1>, vector<16xf32>
      %lt3A_291 = arith.cmpf olt, %get3A_286, %select_n3A_224 : vector<16xf32>
      %select_n3A_292 = arith.select %lt3A_291, %get3A_286, %select_n3A_224 : vector<16xi1>, vector<16xf32>
      %broadcast_in_dim3A_293 = vector.broadcast %add3A_281 : f32 to vector<16xf32>
      %select_n3A_294 = arith.select %lt3A_291, %broadcast_in_dim3A_293, %select_n3A_226 : vector<16xi1>, vector<16xf32>
      %add3A_295 = arith.constant 7 : i32
      %add3A_296 = arith.addi %add3A_174, %add3A_295 : i32
      %add3A_297 = arith.constant 7.000000e+00 : f32
      %add3A_298 = arith.addf %convert_element_type3A_175, %add3A_297 : f32
      %mul3A_299 = arith.constant 16 : i32
      %mul3A_300 = arith.muli %add3A_296, %mul3A_299 : i32
      %get3A_301 = arith.index_cast %mul3A_300 : i32 to index
      %get3A_302 = tpu.vector_load %arg9[%get3A_301] {strides = array<i32>} : memref<6256xf32, #tpu.memory_space<vmem>>, vector<16xf32>,
      %get3A_303 = vector.shape_cast %get3A_302 : vector<16xf32> to vector<16xf32>
      %gt3A_304 = arith.cmpf ogt, %get3A_303, %select_n3A_237 : vector<16xf32>
      %select_n3A_305 = arith.select %gt3A_304, %get3A_303, %select_n3A_237 : vector<16xi1>, vector<16xf32>
      %broadcast_in_dim3A_306 = vector.broadcast %add3A_298 : f32 to vector<16xf32>
      %select_n3A_307 = arith.select %gt3A_304, %broadcast_in_dim3A_306, %select_n3A_239 : vector<16xi1>, vector<16xf32>
      %lt3A_308 = arith.cmpf olt, %get3A_303, %select_n3A_241 : vector<16xf32>
      %select_n3A_309 = arith.select %lt3A_308, %get3A_303, %select_n3A_241 : vector<16xi1>, vector<16xf32>
      %broadcast_in_dim3A_310 = vector.broadcast %add3A_298 : f32 to vector<16xf32>
      %select_n3A_311 = arith.select %lt3A_308, %broadcast_in_dim3A_310, %select_n3A_243 : vector<16xi1>, vector<16xf32>
      scf.yield %select_n3A_254, %select_n3A_256, %select_n3A_258, %select_n3A_260, %select_n3A_271, %select_n3A_273, %select_n3A_275, %select_n3A_277, %select_n3A_288, %select_n3A_290, %select_n3A_292, %select_n3A_294, %select_n3A_305, %select_n3A_307, %select_n3A_309, %select_n3A_311 : vector<16xf32>, vector<16xf32>, vector<16xf32>, vector<16xf32>, vector<16xf32>, vector<16xf32>, vector<16xf32>, vector<16xf32>, vector<16xf32>, vector<16xf32>, vector<16xf32>, vector<16xf32>, vector<16xf32>, vector<16xf32>, vector<16xf32>, vector<16xf32>
    }
    %while3A_37 = arith.constant 1 : i32
    %while3A_38:16 = scf.for %while3A_154 = %while3A_34 to %while3A_30 step %while3A_37 iter_args(%while3A_155 = %while3A_36#0, %while3A_156 = %while3A_36#1, %while3A_157 = %while3A_36#2, %while3A_158 = %while3A_36#3, %while3A_159 = %while3A_36#4, %while3A_160 = %while3A_36#5, %while3A_161 = %while3A_36#6, %while3A_162 = %while3A_36#7, %while3A_163 = %while3A_36#8, %while3A_164 = %while3A_36#9, %while3A_165 = %while3A_36#10, %while3A_166 = %while3A_36#11, %while3A_167 = %while3A_36#12, %while3A_168 = %while3A_36#13, %while3A_169 = %while3A_36#14, %while3A_170 = %while3A_36#15) -> (vector<16xf32>, vector<16xf32>, vector<16xf32>, vector<16xf32>, vector<16xf32>, vector<16xf32>, vector<16xf32>, vector<16xf32>, vector<16xf32>, vector<16xf32>, vector<16xf32>, vector<16xf32>, vector<16xf32>, vector<16xf32>, vector<16xf32>, vector<16xf32>)  : i32 {
      %mul3A_171 = arith.constant 8 : i32
      %mul3A_172 = arith.muli %while3A_154, %mul3A_171 : i32
      %add3A_173 = arith.constant 4 : i32
      %add3A_174 = arith.addi %add3A_173, %mul3A_172 : i32
      %convert_element_type3A_175 = arith.sitofp %add3A_174 : i32 to f32
      %add3A_176 = arith.constant 0 : i32
      %add3A_177 = arith.addi %add3A_174, %add3A_176 : i32
      %add3A_178 = arith.constant 0.000000e+00 : f32
      %add3A_179 = arith.addf %convert_element_type3A_175, %add3A_178 : f32
      %mul3A_180 = arith.constant 16 : i32
      %mul3A_181 = arith.muli %add3A_177, %mul3A_180 : i32
      %get3A_182 = arith.index_cast %mul3A_181 : i32 to index
      %get3A_183 = tpu.vector_load %arg9[%get3A_182] {strides = array<i32>} : memref<6256xf32, #tpu.memory_space<vmem>>, vector<16xf32>,
      %get3A_184 = vector.shape_cast %get3A_183 : vector<16xf32> to vector<16xf32>
      %gt3A_185 = arith.cmpf ogt, %get3A_184, %while3A_155 : vector<16xf32>
      %select_n3A_186 = arith.select %gt3A_185, %get3A_184, %while3A_155 : vector<16xi1>, vector<16xf32>
      %broadcast_in_dim3A_187 = vector.broadcast %add3A_179 : f32 to vector<16xf32>
      %select_n3A_188 = arith.select %gt3A_185, %broadcast_in_dim3A_187, %while3A_156 : vector<16xi1>, vector<16xf32>
      %lt3A_189 = arith.cmpf olt, %get3A_184, %while3A_157 : vector<16xf32>
      %select_n3A_190 = arith.select %lt3A_189, %get3A_184, %while3A_157 : vector<16xi1>, vector<16xf32>
      %broadcast_in_dim3A_191 = vector.broadcast %add3A_179 : f32 to vector<16xf32>
      %select_n3A_192 = arith.select %lt3A_189, %broadcast_in_dim3A_191, %while3A_158 : vector<16xi1>, vector<16xf32>
      %add3A_193 = arith.constant 1 : i32
      %add3A_194 = arith.addi %add3A_174, %add3A_193 : i32
      %add3A_195 = arith.constant 1.000000e+00 : f32
      %add3A_196 = arith.addf %convert_element_type3A_175, %add3A_195 : f32
      %mul3A_197 = arith.constant 16 : i32
      %mul3A_198 = arith.muli %add3A_194, %mul3A_197 : i32
      %get3A_199 = arith.index_cast %mul3A_198 : i32 to index
      %get3A_200 = tpu.vector_load %arg9[%get3A_199] {strides = array<i32>} : memref<6256xf32, #tpu.memory_space<vmem>>, vector<16xf32>,
      %get3A_201 = vector.shape_cast %get3A_200 : vector<16xf32> to vector<16xf32>
      %gt3A_202 = arith.cmpf ogt, %get3A_201, %while3A_159 : vector<16xf32>
      %select_n3A_203 = arith.select %gt3A_202, %get3A_201, %while3A_159 : vector<16xi1>, vector<16xf32>
      %broadcast_in_dim3A_204 = vector.broadcast %add3A_196 : f32 to vector<16xf32>
      %select_n3A_205 = arith.select %gt3A_202, %broadcast_in_dim3A_204, %while3A_160 : vector<16xi1>, vector<16xf32>
      %lt3A_206 = arith.cmpf olt, %get3A_201, %while3A_161 : vector<16xf32>
      %select_n3A_207 = arith.select %lt3A_206, %get3A_201, %while3A_161 : vector<16xi1>, vector<16xf32>
      %broadcast_in_dim3A_208 = vector.broadcast %add3A_196 : f32 to vector<16xf32>
      %select_n3A_209 = arith.select %lt3A_206, %broadcast_in_dim3A_208, %while3A_162 : vector<16xi1>, vector<16xf32>
      %add3A_210 = arith.constant 2 : i32
      %add3A_211 = arith.addi %add3A_174, %add3A_210 : i32
      %add3A_212 = arith.constant 2.000000e+00 : f32
      %add3A_213 = arith.addf %convert_element_type3A_175, %add3A_212 : f32
      %mul3A_214 = arith.constant 16 : i32
      %mul3A_215 = arith.muli %add3A_211, %mul3A_214 : i32
      %get3A_216 = arith.index_cast %mul3A_215 : i32 to index
      %get3A_217 = tpu.vector_load %arg9[%get3A_216] {strides = array<i32>} : memref<6256xf32, #tpu.memory_space<vmem>>, vector<16xf32>,
      %get3A_218 = vector.shape_cast %get3A_217 : vector<16xf32> to vector<16xf32>
      %gt3A_219 = arith.cmpf ogt, %get3A_218, %while3A_163 : vector<16xf32>
      %select_n3A_220 = arith.select %gt3A_219, %get3A_218, %while3A_163 : vector<16xi1>, vector<16xf32>
      %broadcast_in_dim3A_221 = vector.broadcast %add3A_213 : f32 to vector<16xf32>
      %select_n3A_222 = arith.select %gt3A_219, %broadcast_in_dim3A_221, %while3A_164 : vector<16xi1>, vector<16xf32>
      %lt3A_223 = arith.cmpf olt, %get3A_218, %while3A_165 : vector<16xf32>
      %select_n3A_224 = arith.select %lt3A_223, %get3A_218, %while3A_165 : vector<16xi1>, vector<16xf32>
      %broadcast_in_dim3A_225 = vector.broadcast %add3A_213 : f32 to vector<16xf32>
      %select_n3A_226 = arith.select %lt3A_223, %broadcast_in_dim3A_225, %while3A_166 : vector<16xi1>, vector<16xf32>
      %add3A_227 = arith.constant 3 : i32
      %add3A_228 = arith.addi %add3A_174, %add3A_227 : i32
      %add3A_229 = arith.constant 3.000000e+00 : f32
      %add3A_230 = arith.addf %convert_element_type3A_175, %add3A_229 : f32
      %mul3A_231 = arith.constant 16 : i32
      %mul3A_232 = arith.muli %add3A_228, %mul3A_231 : i32
      %get3A_233 = arith.index_cast %mul3A_232 : i32 to index
      %get3A_234 = tpu.vector_load %arg9[%get3A_233] {strides = array<i32>} : memref<6256xf32, #tpu.memory_space<vmem>>, vector<16xf32>,
      %get3A_235 = vector.shape_cast %get3A_234 : vector<16xf32> to vector<16xf32>
      %gt3A_236 = arith.cmpf ogt, %get3A_235, %while3A_167 : vector<16xf32>
      %select_n3A_237 = arith.select %gt3A_236, %get3A_235, %while3A_167 : vector<16xi1>, vector<16xf32>
      %broadcast_in_dim3A_238 = vector.broadcast %add3A_230 : f32 to vector<16xf32>
      %select_n3A_239 = arith.select %gt3A_236, %broadcast_in_dim3A_238, %while3A_168 : vector<16xi1>, vector<16xf32>
      %lt3A_240 = arith.cmpf olt, %get3A_235, %while3A_169 : vector<16xf32>
      %select_n3A_241 = arith.select %lt3A_240, %get3A_235, %while3A_169 : vector<16xi1>, vector<16xf32>
      %broadcast_in_dim3A_242 = vector.broadcast %add3A_230 : f32 to vector<16xf32>
      %select_n3A_243 = arith.select %lt3A_240, %broadcast_in_dim3A_242, %while3A_170 : vector<16xi1>, vector<16xf32>
      %add3A_244 = arith.constant 4 : i32
      %add3A_245 = arith.addi %add3A_174, %add3A_244 : i32
      %add3A_246 = arith.constant 4.000000e+00 : f32
      %add3A_247 = arith.addf %convert_element_type3A_175, %add3A_246 : f32
      %mul3A_248 = arith.constant 16 : i32
      %mul3A_249 = arith.muli %add3A_245, %mul3A_248 : i32
      %get3A_250 = arith.index_cast %mul3A_249 : i32 to index
      %get3A_251 = tpu.vector_load %arg9[%get3A_250] {strides = array<i32>} : memref<6256xf32, #tpu.memory_space<vmem>>, vector<16xf32>,
      %get3A_252 = vector.shape_cast %get3A_251 : vector<16xf32> to vector<16xf32>
      %gt3A_253 = arith.cmpf ogt, %get3A_252, %select_n3A_186 : vector<16xf32>
      %select_n3A_254 = arith.select %gt3A_253, %get3A_252, %select_n3A_186 : vector<16xi1>, vector<16xf32>
      %broadcast_in_dim3A_255 = vector.broadcast %add3A_247 : f32 to vector<16xf32>
      %select_n3A_256 = arith.select %gt3A_253, %broadcast_in_dim3A_255, %select_n3A_188 : vector<16xi1>, vector<16xf32>
      %lt3A_257 = arith.cmpf olt, %get3A_252, %select_n3A_190 : vector<16xf32>
      %select_n3A_258 = arith.select %lt3A_257, %get3A_252, %select_n3A_190 : vector<16xi1>, vector<16xf32>
      %broadcast_in_dim3A_259 = vector.broadcast %add3A_247 : f32 to vector<16xf32>
      %select_n3A_260 = arith.select %lt3A_257, %broadcast_in_dim3A_259, %select_n3A_192 : vector<16xi1>, vector<16xf32>
      %add3A_261 = arith.constant 5 : i32
      %add3A_262 = arith.addi %add3A_174, %add3A_261 : i32
      %add3A_263 = arith.constant 5.000000e+00 : f32
      %add3A_264 = arith.addf %convert_element_type3A_175, %add3A_263 : f32
      %mul3A_265 = arith.constant 16 : i32
      %mul3A_266 = arith.muli %add3A_262, %mul3A_265 : i32
      %get3A_267 = arith.index_cast %mul3A_266 : i32 to index
      %get3A_268 = tpu.vector_load %arg9[%get3A_267] {strides = array<i32>} : memref<6256xf32, #tpu.memory_space<vmem>>, vector<16xf32>,
      %get3A_269 = vector.shape_cast %get3A_268 : vector<16xf32> to vector<16xf32>
      %gt3A_270 = arith.cmpf ogt, %get3A_269, %select_n3A_203 : vector<16xf32>
      %select_n3A_271 = arith.select %gt3A_270, %get3A_269, %select_n3A_203 : vector<16xi1>, vector<16xf32>
      %broadcast_in_dim3A_272 = vector.broadcast %add3A_264 : f32 to vector<16xf32>
      %select_n3A_273 = arith.select %gt3A_270, %broadcast_in_dim3A_272, %select_n3A_205 : vector<16xi1>, vector<16xf32>
      %lt3A_274 = arith.cmpf olt, %get3A_269, %select_n3A_207 : vector<16xf32>
      %select_n3A_275 = arith.select %lt3A_274, %get3A_269, %select_n3A_207 : vector<16xi1>, vector<16xf32>
      %broadcast_in_dim3A_276 = vector.broadcast %add3A_264 : f32 to vector<16xf32>
      %select_n3A_277 = arith.select %lt3A_274, %broadcast_in_dim3A_276, %select_n3A_209 : vector<16xi1>, vector<16xf32>
      %add3A_278 = arith.constant 6 : i32
      %add3A_279 = arith.addi %add3A_174, %add3A_278 : i32
      %add3A_280 = arith.constant 6.000000e+00 : f32
      %add3A_281 = arith.addf %convert_element_type3A_175, %add3A_280 : f32
      %mul3A_282 = arith.constant 16 : i32
      %mul3A_283 = arith.muli %add3A_279, %mul3A_282 : i32
      %get3A_284 = arith.index_cast %mul3A_283 : i32 to index
      %get3A_285 = tpu.vector_load %arg9[%get3A_284] {strides = array<i32>} : memref<6256xf32, #tpu.memory_space<vmem>>, vector<16xf32>,
      %get3A_286 = vector.shape_cast %get3A_285 : vector<16xf32> to vector<16xf32>
      %gt3A_287 = arith.cmpf ogt, %get3A_286, %select_n3A_220 : vector<16xf32>
      %select_n3A_288 = arith.select %gt3A_287, %get3A_286, %select_n3A_220 : vector<16xi1>, vector<16xf32>
      %broadcast_in_dim3A_289 = vector.broadcast %add3A_281 : f32 to vector<16xf32>
      %select_n3A_290 = arith.select %gt3A_287, %broadcast_in_dim3A_289, %select_n3A_222 : vector<16xi1>, vector<16xf32>
      %lt3A_291 = arith.cmpf olt, %get3A_286, %select_n3A_224 : vector<16xf32>
      %select_n3A_292 = arith.select %lt3A_291, %get3A_286, %select_n3A_224 : vector<16xi1>, vector<16xf32>
      %broadcast_in_dim3A_293 = vector.broadcast %add3A_281 : f32 to vector<16xf32>
      %select_n3A_294 = arith.select %lt3A_291, %broadcast_in_dim3A_293, %select_n3A_226 : vector<16xi1>, vector<16xf32>
      %add3A_295 = arith.constant 7 : i32
      %add3A_296 = arith.addi %add3A_174, %add3A_295 : i32
      %add3A_297 = arith.constant 7.000000e+00 : f32
      %add3A_298 = arith.addf %convert_element_type3A_175, %add3A_297 : f32
      %mul3A_299 = arith.constant 16 : i32
      %mul3A_300 = arith.muli %add3A_296, %mul3A_299 : i32
      %get3A_301 = arith.index_cast %mul3A_300 : i32 to index
      %get3A_302 = tpu.vector_load %arg9[%get3A_301] {strides = array<i32>} : memref<6256xf32, #tpu.memory_space<vmem>>, vector<16xf32>,
      %get3A_303 = vector.shape_cast %get3A_302 : vector<16xf32> to vector<16xf32>
      %gt3A_304 = arith.cmpf ogt, %get3A_303, %select_n3A_237 : vector<16xf32>
      %select_n3A_305 = arith.select %gt3A_304, %get3A_303, %select_n3A_237 : vector<16xi1>, vector<16xf32>
      %broadcast_in_dim3A_306 = vector.broadcast %add3A_298 : f32 to vector<16xf32>
      %select_n3A_307 = arith.select %gt3A_304, %broadcast_in_dim3A_306, %select_n3A_239 : vector<16xi1>, vector<16xf32>
      %lt3A_308 = arith.cmpf olt, %get3A_303, %select_n3A_241 : vector<16xf32>
      %select_n3A_309 = arith.select %lt3A_308, %get3A_303, %select_n3A_241 : vector<16xi1>, vector<16xf32>
      %broadcast_in_dim3A_310 = vector.broadcast %add3A_298 : f32 to vector<16xf32>
      %select_n3A_311 = arith.select %lt3A_308, %broadcast_in_dim3A_310, %select_n3A_243 : vector<16xi1>, vector<16xf32>
      scf.yield %select_n3A_254, %select_n3A_256, %select_n3A_258, %select_n3A_260, %select_n3A_271, %select_n3A_273, %select_n3A_275, %select_n3A_277, %select_n3A_288, %select_n3A_290, %select_n3A_292, %select_n3A_294, %select_n3A_305, %select_n3A_307, %select_n3A_309, %select_n3A_311 : vector<16xf32>, vector<16xf32>, vector<16xf32>, vector<16xf32>, vector<16xf32>, vector<16xf32>, vector<16xf32>, vector<16xf32>, vector<16xf32>, vector<16xf32>, vector<16xf32>, vector<16xf32>, vector<16xf32>, vector<16xf32>, vector<16xf32>, vector<16xf32>
    }
    %jit3A_39 = arith.constant 385 : i32
    %jit3A_40 = arith.constant 391 : i32
    %select_n3A_41 = arith.select %eq3A_1, %jit3A_39, %jit3A_40 : i32
    %mul3A_42 = arith.constant 8 : i32
    %mul3A_43 = arith.muli %mul3A_42, %select_n3A : i32
    %add3A_44 = arith.constant 4 : i32
    %add3A_45 = arith.addi %add3A_44, %mul3A_43 : i32
    %while3A_46 = arith.subi %select_n3A_41, %add3A_45 : i32
    %while3A_47 = arith.addi %add3A_45, %while3A_46 : i32
    %while3A_48 = arith.constant 1 : i32
    %while3A_49 = arith.divsi %while3A_46, %while3A_48 : i32
    %while3A_50 = arith.muli %while3A_49, %while3A_48 : i32
    %while3A_51 = arith.addi %add3A_45, %while3A_50 : i32
    %while3A_52 = arith.constant 1 : i32
    %while3A_53:4 = scf.for %while3A_154 = %add3A_45 to %while3A_51 step %while3A_52 iter_args(%while3A_155 = %while3A_38#0, %while3A_156 = %while3A_38#1, %while3A_157 = %while3A_38#2, %while3A_158 = %while3A_38#3) -> (vector<16xf32>, vector<16xf32>, vector<16xf32>, vector<16xf32>)  : i32 {
      %convert_element_type3A_159 = arith.sitofp %while3A_154 : i32 to f32
      %mul3A_160 = arith.constant 16 : i32
      %mul3A_161 = arith.muli %while3A_154, %mul3A_160 : i32
      %get3A_162 = arith.index_cast %mul3A_161 : i32 to index
      %get3A_163 = tpu.vector_load %arg9[%get3A_162] {strides = array<i32>} : memref<6256xf32, #tpu.memory_space<vmem>>, vector<16xf32>,
      %get3A_164 = vector.shape_cast %get3A_163 : vector<16xf32> to vector<16xf32>
      %gt3A_165 = arith.cmpf ogt, %get3A_164, %while3A_155 : vector<16xf32>
      %select_n3A_166 = arith.select %gt3A_165, %get3A_164, %while3A_155 : vector<16xi1>, vector<16xf32>
      %broadcast_in_dim3A_167 = vector.broadcast %convert_element_type3A_159 : f32 to vector<16xf32>
      %select_n3A_168 = arith.select %gt3A_165, %broadcast_in_dim3A_167, %while3A_156 : vector<16xi1>, vector<16xf32>
      %lt3A_169 = arith.cmpf olt, %get3A_164, %while3A_157 : vector<16xf32>
      %select_n3A_170 = arith.select %lt3A_169, %get3A_164, %while3A_157 : vector<16xi1>, vector<16xf32>
      %broadcast_in_dim3A_171 = vector.broadcast %convert_element_type3A_159 : f32 to vector<16xf32>
      %select_n3A_172 = arith.select %lt3A_169, %broadcast_in_dim3A_171, %while3A_158 : vector<16xi1>, vector<16xf32>
      scf.yield %select_n3A_166, %select_n3A_168, %select_n3A_170, %select_n3A_172 : vector<16xf32>, vector<16xf32>, vector<16xf32>, vector<16xf32>
    }
    %while3A_54 = arith.constant 1 : i32
    %while3A_55:4 = scf.for %while3A_154 = %while3A_51 to %while3A_47 step %while3A_54 iter_args(%while3A_155 = %while3A_53#0, %while3A_156 = %while3A_53#1, %while3A_157 = %while3A_53#2, %while3A_158 = %while3A_53#3) -> (vector<16xf32>, vector<16xf32>, vector<16xf32>, vector<16xf32>)  : i32 {
      %convert_element_type3A_159 = arith.sitofp %while3A_154 : i32 to f32
      %mul3A_160 = arith.constant 16 : i32
      %mul3A_161 = arith.muli %while3A_154, %mul3A_160 : i32
      %get3A_162 = arith.index_cast %mul3A_161 : i32 to index
      %get3A_163 = tpu.vector_load %arg9[%get3A_162] {strides = array<i32>} : memref<6256xf32, #tpu.memory_space<vmem>>, vector<16xf32>,
      %get3A_164 = vector.shape_cast %get3A_163 : vector<16xf32> to vector<16xf32>
      %gt3A_165 = arith.cmpf ogt, %get3A_164, %while3A_155 : vector<16xf32>
      %select_n3A_166 = arith.select %gt3A_165, %get3A_164, %while3A_155 : vector<16xi1>, vector<16xf32>
      %broadcast_in_dim3A_167 = vector.broadcast %convert_element_type3A_159 : f32 to vector<16xf32>
      %select_n3A_168 = arith.select %gt3A_165, %broadcast_in_dim3A_167, %while3A_156 : vector<16xi1>, vector<16xf32>
      %lt3A_169 = arith.cmpf olt, %get3A_164, %while3A_157 : vector<16xf32>
      %select_n3A_170 = arith.select %lt3A_169, %get3A_164, %while3A_157 : vector<16xi1>, vector<16xf32>
      %broadcast_in_dim3A_171 = vector.broadcast %convert_element_type3A_159 : f32 to vector<16xf32>
      %select_n3A_172 = arith.select %lt3A_169, %broadcast_in_dim3A_171, %while3A_158 : vector<16xi1>, vector<16xf32>
      scf.yield %select_n3A_166, %select_n3A_168, %select_n3A_170, %select_n3A_172 : vector<16xf32>, vector<16xf32>, vector<16xf32>, vector<16xf32>
    }
    %mul3A_56 = arith.constant 1.600000e+01 : f32
    %mul3A_57 = vector.broadcast %mul3A_56 : f32 to vector<16xf32>
    %mul3A_58 = arith.mulf %while3A_55#1, %mul3A_57 : vector<16xf32>
    %add3A_59 = arith.addf %mul3A_58, %add3A_9 : vector<16xf32>
    %mul3A_60 = arith.constant 1.600000e+01 : f32
    %mul3A_61 = vector.broadcast %mul3A_60 : f32 to vector<16xf32>
    %mul3A_62 = arith.mulf %while3A_55#3, %mul3A_61 : vector<16xf32>
    %add3A_63 = arith.addf %mul3A_62, %add3A_9 : vector<16xf32>
    %mul3A_64 = arith.constant 1.600000e+01 : f32
    %mul3A_65 = vector.broadcast %mul3A_64 : f32 to vector<16xf32>
    %mul3A_66 = arith.mulf %while3A_38#5, %mul3A_65 : vector<16xf32>
    %add3A_67 = arith.addf %mul3A_66, %add3A_9 : vector<16xf32>
    %gt3A = arith.cmpf ogt, %while3A_38#4, %while3A_55#0 : vector<16xf32>
    %eq3A_68 = arith.cmpf oeq, %while3A_38#4, %while3A_55#0 : vector<16xf32>
    %lt3A = arith.cmpf olt, %add3A_67, %add3A_59 : vector<16xf32>
    %and3A = arith.andi %eq3A_68, %lt3A : vector<16xi1>
    %or3A = arith.ori %gt3A, %and3A : vector<16xi1>
    %select_n3A_69 = arith.select %or3A, %while3A_38#4, %while3A_55#0 : vector<16xi1>, vector<16xf32>
    %select_n3A_70 = arith.select %or3A, %add3A_67, %add3A_59 : vector<16xi1>, vector<16xf32>
    %mul3A_71 = arith.constant 1.600000e+01 : f32
    %mul3A_72 = vector.broadcast %mul3A_71 : f32 to vector<16xf32>
    %mul3A_73 = arith.mulf %while3A_38#7, %mul3A_72 : vector<16xf32>
    %add3A_74 = arith.addf %mul3A_73, %add3A_9 : vector<16xf32>
    %lt3A_75 = arith.cmpf olt, %while3A_38#6, %while3A_55#2 : vector<16xf32>
    %eq3A_76 = arith.cmpf oeq, %while3A_38#6, %while3A_55#2 : vector<16xf32>
    %lt3A_77 = arith.cmpf olt, %add3A_74, %add3A_63 : vector<16xf32>
    %and3A_78 = arith.andi %eq3A_76, %lt3A_77 : vector<16xi1>
    %or3A_79 = arith.ori %lt3A_75, %and3A_78 : vector<16xi1>
    %select_n3A_80 = arith.select %or3A_79, %while3A_38#6, %while3A_55#2 : vector<16xi1>, vector<16xf32>
    %select_n3A_81 = arith.select %or3A_79, %add3A_74, %add3A_63 : vector<16xi1>, vector<16xf32>
    %mul3A_82 = arith.constant 1.600000e+01 : f32
    %mul3A_83 = vector.broadcast %mul3A_82 : f32 to vector<16xf32>
    %mul3A_84 = arith.mulf %while3A_38#9, %mul3A_83 : vector<16xf32>
    %add3A_85 = arith.addf %mul3A_84, %add3A_9 : vector<16xf32>
    %gt3A_86 = arith.cmpf ogt, %while3A_38#8, %select_n3A_69 : vector<16xf32>
    %eq3A_87 = arith.cmpf oeq, %while3A_38#8, %select_n3A_69 : vector<16xf32>
    %lt3A_88 = arith.cmpf olt, %add3A_85, %select_n3A_70 : vector<16xf32>
    %and3A_89 = arith.andi %eq3A_87, %lt3A_88 : vector<16xi1>
    %or3A_90 = arith.ori %gt3A_86, %and3A_89 : vector<16xi1>
    %select_n3A_91 = arith.select %or3A_90, %while3A_38#8, %select_n3A_69 : vector<16xi1>, vector<16xf32>
    %select_n3A_92 = arith.select %or3A_90, %add3A_85, %select_n3A_70 : vector<16xi1>, vector<16xf32>
    %mul3A_93 = arith.constant 1.600000e+01 : f32
    %mul3A_94 = vector.broadcast %mul3A_93 : f32 to vector<16xf32>
    %mul3A_95 = arith.mulf %while3A_38#11, %mul3A_94 : vector<16xf32>
    %add3A_96 = arith.addf %mul3A_95, %add3A_9 : vector<16xf32>
    %lt3A_97 = arith.cmpf olt, %while3A_38#10, %select_n3A_80 : vector<16xf32>
    %eq3A_98 = arith.cmpf oeq, %while3A_38#10, %select_n3A_80 : vector<16xf32>
    %lt3A_99 = arith.cmpf olt, %add3A_96, %select_n3A_81 : vector<16xf32>
    %and3A_100 = arith.andi %eq3A_98, %lt3A_99 : vector<16xi1>
    %or3A_101 = arith.ori %lt3A_97, %and3A_100 : vector<16xi1>
    %select_n3A_102 = arith.select %or3A_101, %while3A_38#10, %select_n3A_80 : vector<16xi1>, vector<16xf32>
    %select_n3A_103 = arith.select %or3A_101, %add3A_96, %select_n3A_81 : vector<16xi1>, vector<16xf32>
    %mul3A_104 = arith.constant 1.600000e+01 : f32
    %mul3A_105 = vector.broadcast %mul3A_104 : f32 to vector<16xf32>
    %mul3A_106 = arith.mulf %while3A_38#13, %mul3A_105 : vector<16xf32>
    %add3A_107 = arith.addf %mul3A_106, %add3A_9 : vector<16xf32>
    %gt3A_108 = arith.cmpf ogt, %while3A_38#12, %select_n3A_91 : vector<16xf32>
    %eq3A_109 = arith.cmpf oeq, %while3A_38#12, %select_n3A_91 : vector<16xf32>
    %lt3A_110 = arith.cmpf olt, %add3A_107, %select_n3A_92 : vector<16xf32>
    %and3A_111 = arith.andi %eq3A_109, %lt3A_110 : vector<16xi1>
    %or3A_112 = arith.ori %gt3A_108, %and3A_111 : vector<16xi1>
    %select_n3A_113 = arith.select %or3A_112, %while3A_38#12, %select_n3A_91 : vector<16xi1>, vector<16xf32>
    %select_n3A_114 = arith.select %or3A_112, %add3A_107, %select_n3A_92 : vector<16xi1>, vector<16xf32>
    %mul3A_115 = arith.constant 1.600000e+01 : f32
    %mul3A_116 = vector.broadcast %mul3A_115 : f32 to vector<16xf32>
    %mul3A_117 = arith.mulf %while3A_38#15, %mul3A_116 : vector<16xf32>
    %add3A_118 = arith.addf %mul3A_117, %add3A_9 : vector<16xf32>
    %lt3A_119 = arith.cmpf olt, %while3A_38#14, %select_n3A_102 : vector<16xf32>
    %eq3A_120 = arith.cmpf oeq, %while3A_38#14, %select_n3A_102 : vector<16xf32>
    %lt3A_121 = arith.cmpf olt, %add3A_118, %select_n3A_103 : vector<16xf32>
    %and3A_122 = arith.andi %eq3A_120, %lt3A_121 : vector<16xi1>
    %or3A_123 = arith.ori %lt3A_119, %and3A_122 : vector<16xi1>
    %select_n3A_124 = arith.select %or3A_123, %while3A_38#14, %select_n3A_102 : vector<16xi1>, vector<16xf32>
    %select_n3A_125 = arith.select %or3A_123, %add3A_118, %select_n3A_103 : vector<16xi1>, vector<16xf32>
    %swap3A = arith.constant 0 : i32
    %swap3A_126 = arith.index_cast %swap3A : i32 to index
    %swap3A_127 = arith.constant 0 : index
    %swap3A_128 = tpu.vector_load %arg10[%swap3A_126, %swap3A_127] {strides = array<i32>} : memref<4x16xf32, #tpu.memory_space<vmem>>, vector<1x16xf32>,
    %swap3A_129 = vector.shape_cast %swap3A_128 : vector<1x16xf32> to vector<16xf32>
    %swap3A_130 = vector.shape_cast %select_n3A_113 : vector<16xf32> to vector<1x16xf32>
    tpu.vector_store %arg10[%swap3A_126, %swap3A_127], %swap3A_130 {strides = array<i32>} : memref<4x16xf32, #tpu.memory_space<vmem>>, vector<1x16xf32>,
    %swap3A_131 = arith.constant 1 : i32
    %swap3A_132 = arith.index_cast %swap3A_131 : i32 to index
    %swap3A_133 = arith.constant 0 : index
    %swap3A_134 = tpu.vector_load %arg10[%swap3A_132, %swap3A_133] {strides = array<i32>} : memref<4x16xf32, #tpu.memory_space<vmem>>, vector<1x16xf32>,
    %swap3A_135 = vector.shape_cast %swap3A_134 : vector<1x16xf32> to vector<16xf32>
    %swap3A_136 = vector.shape_cast %select_n3A_114 : vector<16xf32> to vector<1x16xf32>
    tpu.vector_store %arg10[%swap3A_132, %swap3A_133], %swap3A_136 {strides = array<i32>} : memref<4x16xf32, #tpu.memory_space<vmem>>, vector<1x16xf32>,
    %swap3A_137 = arith.constant 2 : i32
    %swap3A_138 = arith.index_cast %swap3A_137 : i32 to index
    %swap3A_139 = arith.constant 0 : index
    %swap3A_140 = tpu.vector_load %arg10[%swap3A_138, %swap3A_139] {strides = array<i32>} : memref<4x16xf32, #tpu.memory_space<vmem>>, vector<1x16xf32>,
    %swap3A_141 = vector.shape_cast %swap3A_140 : vector<1x16xf32> to vector<16xf32>
    %swap3A_142 = vector.shape_cast %select_n3A_124 : vector<16xf32> to vector<1x16xf32>
    tpu.vector_store %arg10[%swap3A_138, %swap3A_139], %swap3A_142 {strides = array<i32>} : memref<4x16xf32, #tpu.memory_space<vmem>>, vector<1x16xf32>,
    %swap3A_143 = arith.constant 3 : i32
    %swap3A_144 = arith.index_cast %swap3A_143 : i32 to index
    %swap3A_145 = arith.constant 0 : index
    %swap3A_146 = tpu.vector_load %arg10[%swap3A_144, %swap3A_145] {strides = array<i32>} : memref<4x16xf32, #tpu.memory_space<vmem>>, vector<1x16xf32>,
    %swap3A_147 = vector.shape_cast %swap3A_146 : vector<1x16xf32> to vector<16xf32>
    %swap3A_148 = vector.shape_cast %select_n3A_125 : vector<16xf32> to vector<1x16xf32>
    tpu.vector_store %arg10[%swap3A_144, %swap3A_145], %swap3A_148 {strides = array<i32>} : memref<4x16xf32, #tpu.memory_space<vmem>>, vector<1x16xf32>,
    "tpu.region"() ({
      %run_scoped3A = tpu.sem_alloc : memref<!tpu.dma_semaphore, #tpu.memory_space<semaphore_mem>>
      %dma_start3A = arith.constant 0 : i32
      %dma_start3A_154 = arith.constant 0 : i32
      %dma_start3A_155 = tpu.memref_slice %arg8[%arg1, %dma_start3A, %dma_start3A_154] : memref<16x4x16xf32, #tpu.memory_space<hbm>> -> memref<1x4x16xf32, #tpu.memory_space<hbm>>
      %dma_start3A_156 = tpu.memref_squeeze %dma_start3A_155 : memref<1x4x16xf32, #tpu.memory_space<hbm>> -> memref<4x16xf32, #tpu.memory_space<hbm>>
      %dma_start3A_157 = arith.constant 0 : i32
      %dma_start3A_158 = arith.constant 0 : i32
      %dma_start3A_159 = tpu.memref_slice %arg8[%arg1, %dma_start3A_157, %dma_start3A_158] : memref<16x4x16xf32, #tpu.memory_space<hbm>> -> memref<1x4x16xf32, #tpu.memory_space<hbm>>
      %dma_start3A_160 = tpu.memref_squeeze %dma_start3A_159 : memref<1x4x16xf32, #tpu.memory_space<hbm>> -> memref<4x16xf32, #tpu.memory_space<hbm>>
      tpu.enqueue_dma source(%arg10 : memref<4x16xf32, #tpu.memory_space<vmem>>) target(%dma_start3A_160 : memref<4x16xf32, #tpu.memory_space<hbm>>) target_semaphore(%run_scoped3A : memref<!tpu.dma_semaphore, #tpu.memory_space<semaphore_mem>>)
      %dma_wait3A = arith.constant 0 : i32
      %dma_wait3A_161 = arith.constant 0 : i32
      %dma_wait3A_162 = tpu.memref_slice %arg8[%arg1, %dma_wait3A, %dma_wait3A_161] : memref<16x4x16xf32, #tpu.memory_space<hbm>> -> memref<1x4x16xf32, #tpu.memory_space<hbm>>
      %dma_wait3A_163 = tpu.memref_squeeze %dma_wait3A_162 : memref<1x4x16xf32, #tpu.memory_space<hbm>> -> memref<4x16xf32, #tpu.memory_space<hbm>>
      %dma_wait3A_164 = arith.constant 0 : i32
      %dma_wait3A_165 = arith.constant 0 : i32
      %dma_wait3A_166 = tpu.memref_slice %arg8[%arg1, %dma_wait3A_164, %dma_wait3A_165] : memref<16x4x16xf32, #tpu.memory_space<hbm>> -> memref<1x4x16xf32, #tpu.memory_space<hbm>>
      %dma_wait3A_167 = tpu.memref_squeeze %dma_wait3A_166 : memref<1x4x16xf32, #tpu.memory_space<hbm>> -> memref<4x16xf32, #tpu.memory_space<hbm>>
      tpu.wait_dma2 semaphore(%run_scoped3A : memref<!tpu.dma_semaphore, #tpu.memory_space<semaphore_mem>>) src(%arg10 : memref<4x16xf32, #tpu.memory_space<vmem>>) dst(%dma_wait3A_167 : memref<4x16xf32, #tpu.memory_space<hbm>>)
      tpu.yield
    }) : () -> ()
    %barrier3A = arith.constant 0 : index
    tpu.barrier barrier_id(%barrier3A)
    %eq3A_149 = arith.constant 0 : i32
    %eq3A_150 = arith.cmpi eq, %arg1, %eq3A_149 : i32
    %convert_element_type3A_151 = arith.extui %eq3A_150 : i1 to i32
    %cond3A_152 = arith.constant 0 : i32
    %cond3A_153 = arith.cmpi ne, %convert_element_type3A_151, %cond3A_152 : i32
    scf.if %cond3A_153 {
      "tpu.region"() ({
        %run_scoped3A = tpu.sem_alloc : memref<!tpu.dma_semaphore, #tpu.memory_space<semaphore_mem>>
        tpu.enqueue_dma source(%arg8 : memref<16x4x16xf32, #tpu.memory_space<hbm>>) target(%arg11 : memref<16x4x16xf32, #tpu.memory_space<vmem>>) target_semaphore(%run_scoped3A : memref<!tpu.dma_semaphore, #tpu.memory_space<semaphore_mem>>)
        tpu.wait_dma2 semaphore(%run_scoped3A : memref<!tpu.dma_semaphore, #tpu.memory_space<semaphore_mem>>) src(%arg8 : memref<16x4x16xf32, #tpu.memory_space<hbm>>) dst(%arg11 : memref<16x4x16xf32, #tpu.memory_space<vmem>>)
        tpu.yield
      }) : () -> ()
      %get3A_154 = arith.constant 0 : i32
      %get3A_155 = arith.constant 0 : i32
      %get3A_156 = arith.index_cast %get3A_154 : i32 to index
      %get3A_157 = arith.index_cast %get3A_155 : i32 to index
      %get3A_158 = arith.constant 0 : index
      %get3A_159 = tpu.vector_load %arg11[%get3A_156, %get3A_157, %get3A_158] {strides = array<i32>} : memref<16x4x16xf32, #tpu.memory_space<vmem>>, vector<1x1x16xf32>,
      %get3A_160 = vector.shape_cast %get3A_159 : vector<1x1x16xf32> to vector<16xf32>
      %get3A_161 = arith.constant 0 : i32
      %get3A_162 = arith.constant 1 : i32
      %get3A_163 = arith.index_cast %get3A_161 : i32 to index
      %get3A_164 = arith.index_cast %get3A_162 : i32 to index
      %get3A_165 = arith.constant 0 : index
      %get3A_166 = tpu.vector_load %arg11[%get3A_163, %get3A_164, %get3A_165] {strides = array<i32>} : memref<16x4x16xf32, #tpu.memory_space<vmem>>, vector<1x1x16xf32>,
      %get3A_167 = vector.shape_cast %get3A_166 : vector<1x1x16xf32> to vector<16xf32>
      %get3A_168 = arith.constant 0 : i32
      %get3A_169 = arith.constant 2 : i32
      %get3A_170 = arith.index_cast %get3A_168 : i32 to index
      %get3A_171 = arith.index_cast %get3A_169 : i32 to index
      %get3A_172 = arith.constant 0 : index
      %get3A_173 = tpu.vector_load %arg11[%get3A_170, %get3A_171, %get3A_172] {strides = array<i32>} : memref<16x4x16xf32, #tpu.memory_space<vmem>>, vector<1x1x16xf32>,
      %get3A_174 = vector.shape_cast %get3A_173 : vector<1x1x16xf32> to vector<16xf32>
      %get3A_175 = arith.constant 0 : i32
      %get3A_176 = arith.constant 3 : i32
      %get3A_177 = arith.index_cast %get3A_175 : i32 to index
      %get3A_178 = arith.index_cast %get3A_176 : i32 to index
      %get3A_179 = arith.constant 0 : index
      %get3A_180 = tpu.vector_load %arg11[%get3A_177, %get3A_178, %get3A_179] {strides = array<i32>} : memref<16x4x16xf32, #tpu.memory_space<vmem>>, vector<1x1x16xf32>,
      %get3A_181 = vector.shape_cast %get3A_180 : vector<1x1x16xf32> to vector<16xf32>
      %get3A_182 = arith.constant 1 : i32
      %get3A_183 = arith.constant 0 : i32
      %get3A_184 = arith.index_cast %get3A_182 : i32 to index
      %get3A_185 = arith.index_cast %get3A_183 : i32 to index
      %get3A_186 = arith.constant 0 : index
      %get3A_187 = tpu.vector_load %arg11[%get3A_184, %get3A_185, %get3A_186] {strides = array<i32>} : memref<16x4x16xf32, #tpu.memory_space<vmem>>, vector<1x1x16xf32>,
      %get3A_188 = vector.shape_cast %get3A_187 : vector<1x1x16xf32> to vector<16xf32>
      %get3A_189 = arith.constant 1 : i32
      %get3A_190 = arith.constant 1 : i32
      %get3A_191 = arith.index_cast %get3A_189 : i32 to index
      %get3A_192 = arith.index_cast %get3A_190 : i32 to index
      %get3A_193 = arith.constant 0 : index
      %get3A_194 = tpu.vector_load %arg11[%get3A_191, %get3A_192, %get3A_193] {strides = array<i32>} : memref<16x4x16xf32, #tpu.memory_space<vmem>>, vector<1x1x16xf32>,
      %get3A_195 = vector.shape_cast %get3A_194 : vector<1x1x16xf32> to vector<16xf32>
      %gt3A_196 = arith.cmpf ogt, %get3A_188, %get3A_160 : vector<16xf32>
      %eq3A_197 = arith.cmpf oeq, %get3A_188, %get3A_160 : vector<16xf32>
      %lt3A_198 = arith.cmpf olt, %get3A_195, %get3A_167 : vector<16xf32>
      %and3A_199 = arith.andi %eq3A_197, %lt3A_198 : vector<16xi1>
      %or3A_200 = arith.ori %gt3A_196, %and3A_199 : vector<16xi1>
      %select_n3A_201 = arith.select %or3A_200, %get3A_188, %get3A_160 : vector<16xi1>, vector<16xf32>
      %select_n3A_202 = arith.select %or3A_200, %get3A_195, %get3A_167 : vector<16xi1>, vector<16xf32>
      %get3A_203 = arith.constant 1 : i32
      %get3A_204 = arith.constant 2 : i32
      %get3A_205 = arith.index_cast %get3A_203 : i32 to index
      %get3A_206 = arith.index_cast %get3A_204 : i32 to index
      %get3A_207 = arith.constant 0 : index
      %get3A_208 = tpu.vector_load %arg11[%get3A_205, %get3A_206, %get3A_207] {strides = array<i32>} : memref<16x4x16xf32, #tpu.memory_space<vmem>>, vector<1x1x16xf32>,
      %get3A_209 = vector.shape_cast %get3A_208 : vector<1x1x16xf32> to vector<16xf32>
      %get3A_210 = arith.constant 1 : i32
      %get3A_211 = arith.constant 3 : i32
      %get3A_212 = arith.index_cast %get3A_210 : i32 to index
      %get3A_213 = arith.index_cast %get3A_211 : i32 to index
      %get3A_214 = arith.constant 0 : index
      %get3A_215 = tpu.vector_load %arg11[%get3A_212, %get3A_213, %get3A_214] {strides = array<i32>} : memref<16x4x16xf32, #tpu.memory_space<vmem>>, vector<1x1x16xf32>,
      %get3A_216 = vector.shape_cast %get3A_215 : vector<1x1x16xf32> to vector<16xf32>
      %lt3A_217 = arith.cmpf olt, %get3A_209, %get3A_174 : vector<16xf32>
      %eq3A_218 = arith.cmpf oeq, %get3A_209, %get3A_174 : vector<16xf32>
      %lt3A_219 = arith.cmpf olt, %get3A_216, %get3A_181 : vector<16xf32>
      %and3A_220 = arith.andi %eq3A_218, %lt3A_219 : vector<16xi1>
      %or3A_221 = arith.ori %lt3A_217, %and3A_220 : vector<16xi1>
      %select_n3A_222 = arith.select %or3A_221, %get3A_209, %get3A_174 : vector<16xi1>, vector<16xf32>
      %select_n3A_223 = arith.select %or3A_221, %get3A_216, %get3A_181 : vector<16xi1>, vector<16xf32>
      %get3A_224 = arith.constant 2 : i32
      %get3A_225 = arith.constant 0 : i32
      %get3A_226 = arith.index_cast %get3A_224 : i32 to index
      %get3A_227 = arith.index_cast %get3A_225 : i32 to index
      %get3A_228 = arith.constant 0 : index
      %get3A_229 = tpu.vector_load %arg11[%get3A_226, %get3A_227, %get3A_228] {strides = array<i32>} : memref<16x4x16xf32, #tpu.memory_space<vmem>>, vector<1x1x16xf32>,
      %get3A_230 = vector.shape_cast %get3A_229 : vector<1x1x16xf32> to vector<16xf32>
      %get3A_231 = arith.constant 2 : i32
      %get3A_232 = arith.constant 1 : i32
      %get3A_233 = arith.index_cast %get3A_231 : i32 to index
      %get3A_234 = arith.index_cast %get3A_232 : i32 to index
      %get3A_235 = arith.constant 0 : index
      %get3A_236 = tpu.vector_load %arg11[%get3A_233, %get3A_234, %get3A_235] {strides = array<i32>} : memref<16x4x16xf32, #tpu.memory_space<vmem>>, vector<1x1x16xf32>,
      %get3A_237 = vector.shape_cast %get3A_236 : vector<1x1x16xf32> to vector<16xf32>
      %gt3A_238 = arith.cmpf ogt, %get3A_230, %select_n3A_201 : vector<16xf32>
      %eq3A_239 = arith.cmpf oeq, %get3A_230, %select_n3A_201 : vector<16xf32>
      %lt3A_240 = arith.cmpf olt, %get3A_237, %select_n3A_202 : vector<16xf32>
      %and3A_241 = arith.andi %eq3A_239, %lt3A_240 : vector<16xi1>
      %or3A_242 = arith.ori %gt3A_238, %and3A_241 : vector<16xi1>
      %select_n3A_243 = arith.select %or3A_242, %get3A_230, %select_n3A_201 : vector<16xi1>, vector<16xf32>
      %select_n3A_244 = arith.select %or3A_242, %get3A_237, %select_n3A_202 : vector<16xi1>, vector<16xf32>
      %get3A_245 = arith.constant 2 : i32
      %get3A_246 = arith.constant 2 : i32
      %get3A_247 = arith.index_cast %get3A_245 : i32 to index
      %get3A_248 = arith.index_cast %get3A_246 : i32 to index
      %get3A_249 = arith.constant 0 : index
      %get3A_250 = tpu.vector_load %arg11[%get3A_247, %get3A_248, %get3A_249] {strides = array<i32>} : memref<16x4x16xf32, #tpu.memory_space<vmem>>, vector<1x1x16xf32>,
      %get3A_251 = vector.shape_cast %get3A_250 : vector<1x1x16xf32> to vector<16xf32>
      %get3A_252 = arith.constant 2 : i32
      %get3A_253 = arith.constant 3 : i32
      %get3A_254 = arith.index_cast %get3A_252 : i32 to index
      %get3A_255 = arith.index_cast %get3A_253 : i32 to index
      %get3A_256 = arith.constant 0 : index
      %get3A_257 = tpu.vector_load %arg11[%get3A_254, %get3A_255, %get3A_256] {strides = array<i32>} : memref<16x4x16xf32, #tpu.memory_space<vmem>>, vector<1x1x16xf32>,
      %get3A_258 = vector.shape_cast %get3A_257 : vector<1x1x16xf32> to vector<16xf32>
      %lt3A_259 = arith.cmpf olt, %get3A_251, %select_n3A_222 : vector<16xf32>
      %eq3A_260 = arith.cmpf oeq, %get3A_251, %select_n3A_222 : vector<16xf32>
      %lt3A_261 = arith.cmpf olt, %get3A_258, %select_n3A_223 : vector<16xf32>
      %and3A_262 = arith.andi %eq3A_260, %lt3A_261 : vector<16xi1>
      %or3A_263 = arith.ori %lt3A_259, %and3A_262 : vector<16xi1>
      %select_n3A_264 = arith.select %or3A_263, %get3A_251, %select_n3A_222 : vector<16xi1>, vector<16xf32>
      %select_n3A_265 = arith.select %or3A_263, %get3A_258, %select_n3A_223 : vector<16xi1>, vector<16xf32>
      %get3A_266 = arith.constant 3 : i32
      %get3A_267 = arith.constant 0 : i32
      %get3A_268 = arith.index_cast %get3A_266 : i32 to index
      %get3A_269 = arith.index_cast %get3A_267 : i32 to index
      %get3A_270 = arith.constant 0 : index
      %get3A_271 = tpu.vector_load %arg11[%get3A_268, %get3A_269, %get3A_270] {strides = array<i32>} : memref<16x4x16xf32, #tpu.memory_space<vmem>>, vector<1x1x16xf32>,
      %get3A_272 = vector.shape_cast %get3A_271 : vector<1x1x16xf32> to vector<16xf32>
      %get3A_273 = arith.constant 3 : i32
      %get3A_274 = arith.constant 1 : i32
      %get3A_275 = arith.index_cast %get3A_273 : i32 to index
      %get3A_276 = arith.index_cast %get3A_274 : i32 to index
      %get3A_277 = arith.constant 0 : index
      %get3A_278 = tpu.vector_load %arg11[%get3A_275, %get3A_276, %get3A_277] {strides = array<i32>} : memref<16x4x16xf32, #tpu.memory_space<vmem>>, vector<1x1x16xf32>,
      %get3A_279 = vector.shape_cast %get3A_278 : vector<1x1x16xf32> to vector<16xf32>
      %gt3A_280 = arith.cmpf ogt, %get3A_272, %select_n3A_243 : vector<16xf32>
      %eq3A_281 = arith.cmpf oeq, %get3A_272, %select_n3A_243 : vector<16xf32>
      %lt3A_282 = arith.cmpf olt, %get3A_279, %select_n3A_244 : vector<16xf32>
      %and3A_283 = arith.andi %eq3A_281, %lt3A_282 : vector<16xi1>
      %or3A_284 = arith.ori %gt3A_280, %and3A_283 : vector<16xi1>
      %select_n3A_285 = arith.select %or3A_284, %get3A_272, %select_n3A_243 : vector<16xi1>, vector<16xf32>
      %select_n3A_286 = arith.select %or3A_284, %get3A_279, %select_n3A_244 : vector<16xi1>, vector<16xf32>
      %get3A_287 = arith.constant 3 : i32
      %get3A_288 = arith.constant 2 : i32
      %get3A_289 = arith.index_cast %get3A_287 : i32 to index
      %get3A_290 = arith.index_cast %get3A_288 : i32 to index
      %get3A_291 = arith.constant 0 : index
      %get3A_292 = tpu.vector_load %arg11[%get3A_289, %get3A_290, %get3A_291] {strides = array<i32>} : memref<16x4x16xf32, #tpu.memory_space<vmem>>, vector<1x1x16xf32>,
      %get3A_293 = vector.shape_cast %get3A_292 : vector<1x1x16xf32> to vector<16xf32>
      %get3A_294 = arith.constant 3 : i32
      %get3A_295 = arith.constant 3 : i32
      %get3A_296 = arith.index_cast %get3A_294 : i32 to index
      %get3A_297 = arith.index_cast %get3A_295 : i32 to index
      %get3A_298 = arith.constant 0 : index
      %get3A_299 = tpu.vector_load %arg11[%get3A_296, %get3A_297, %get3A_298] {strides = array<i32>} : memref<16x4x16xf32, #tpu.memory_space<vmem>>, vector<1x1x16xf32>,
      %get3A_300 = vector.shape_cast %get3A_299 : vector<1x1x16xf32> to vector<16xf32>
      %lt3A_301 = arith.cmpf olt, %get3A_293, %select_n3A_264 : vector<16xf32>
      %eq3A_302 = arith.cmpf oeq, %get3A_293, %select_n3A_264 : vector<16xf32>
      %lt3A_303 = arith.cmpf olt, %get3A_300, %select_n3A_265 : vector<16xf32>
      %and3A_304 = arith.andi %eq3A_302, %lt3A_303 : vector<16xi1>
      %or3A_305 = arith.ori %lt3A_301, %and3A_304 : vector<16xi1>
      %select_n3A_306 = arith.select %or3A_305, %get3A_293, %select_n3A_264 : vector<16xi1>, vector<16xf32>
      %select_n3A_307 = arith.select %or3A_305, %get3A_300, %select_n3A_265 : vector<16xi1>, vector<16xf32>
      %get3A_308 = arith.constant 4 : i32
      %get3A_309 = arith.constant 0 : i32
      %get3A_310 = arith.index_cast %get3A_308 : i32 to index
      %get3A_311 = arith.index_cast %get3A_309 : i32 to index
      %get3A_312 = arith.constant 0 : index
      %get3A_313 = tpu.vector_load %arg11[%get3A_310, %get3A_311, %get3A_312] {strides = array<i32>} : memref<16x4x16xf32, #tpu.memory_space<vmem>>, vector<1x1x16xf32>,
      %get3A_314 = vector.shape_cast %get3A_313 : vector<1x1x16xf32> to vector<16xf32>
      %get3A_315 = arith.constant 4 : i32
      %get3A_316 = arith.constant 1 : i32
      %get3A_317 = arith.index_cast %get3A_315 : i32 to index
      %get3A_318 = arith.index_cast %get3A_316 : i32 to index
      %get3A_319 = arith.constant 0 : index
      %get3A_320 = tpu.vector_load %arg11[%get3A_317, %get3A_318, %get3A_319] {strides = array<i32>} : memref<16x4x16xf32, #tpu.memory_space<vmem>>, vector<1x1x16xf32>,
      %get3A_321 = vector.shape_cast %get3A_320 : vector<1x1x16xf32> to vector<16xf32>
      %gt3A_322 = arith.cmpf ogt, %get3A_314, %select_n3A_285 : vector<16xf32>
      %eq3A_323 = arith.cmpf oeq, %get3A_314, %select_n3A_285 : vector<16xf32>
      %lt3A_324 = arith.cmpf olt, %get3A_321, %select_n3A_286 : vector<16xf32>
      %and3A_325 = arith.andi %eq3A_323, %lt3A_324 : vector<16xi1>
      %or3A_326 = arith.ori %gt3A_322, %and3A_325 : vector<16xi1>
      %select_n3A_327 = arith.select %or3A_326, %get3A_314, %select_n3A_285 : vector<16xi1>, vector<16xf32>
      %select_n3A_328 = arith.select %or3A_326, %get3A_321, %select_n3A_286 : vector<16xi1>, vector<16xf32>
      %get3A_329 = arith.constant 4 : i32
      %get3A_330 = arith.constant 2 : i32
      %get3A_331 = arith.index_cast %get3A_329 : i32 to index
      %get3A_332 = arith.index_cast %get3A_330 : i32 to index
      %get3A_333 = arith.constant 0 : index
      %get3A_334 = tpu.vector_load %arg11[%get3A_331, %get3A_332, %get3A_333] {strides = array<i32>} : memref<16x4x16xf32, #tpu.memory_space<vmem>>, vector<1x1x16xf32>,
      %get3A_335 = vector.shape_cast %get3A_334 : vector<1x1x16xf32> to vector<16xf32>
      %get3A_336 = arith.constant 4 : i32
      %get3A_337 = arith.constant 3 : i32
      %get3A_338 = arith.index_cast %get3A_336 : i32 to index
      %get3A_339 = arith.index_cast %get3A_337 : i32 to index
      %get3A_340 = arith.constant 0 : index
      %get3A_341 = tpu.vector_load %arg11[%get3A_338, %get3A_339, %get3A_340] {strides = array<i32>} : memref<16x4x16xf32, #tpu.memory_space<vmem>>, vector<1x1x16xf32>,
      %get3A_342 = vector.shape_cast %get3A_341 : vector<1x1x16xf32> to vector<16xf32>
      %lt3A_343 = arith.cmpf olt, %get3A_335, %select_n3A_306 : vector<16xf32>
      %eq3A_344 = arith.cmpf oeq, %get3A_335, %select_n3A_306 : vector<16xf32>
      %lt3A_345 = arith.cmpf olt, %get3A_342, %select_n3A_307 : vector<16xf32>
      %and3A_346 = arith.andi %eq3A_344, %lt3A_345 : vector<16xi1>
      %or3A_347 = arith.ori %lt3A_343, %and3A_346 : vector<16xi1>
      %select_n3A_348 = arith.select %or3A_347, %get3A_335, %select_n3A_306 : vector<16xi1>, vector<16xf32>
      %select_n3A_349 = arith.select %or3A_347, %get3A_342, %select_n3A_307 : vector<16xi1>, vector<16xf32>
      %get3A_350 = arith.constant 5 : i32
      %get3A_351 = arith.constant 0 : i32
      %get3A_352 = arith.index_cast %get3A_350 : i32 to index
      %get3A_353 = arith.index_cast %get3A_351 : i32 to index
      %get3A_354 = arith.constant 0 : index
      %get3A_355 = tpu.vector_load %arg11[%get3A_352, %get3A_353, %get3A_354] {strides = array<i32>} : memref<16x4x16xf32, #tpu.memory_space<vmem>>, vector<1x1x16xf32>,
      %get3A_356 = vector.shape_cast %get3A_355 : vector<1x1x16xf32> to vector<16xf32>
      %get3A_357 = arith.constant 5 : i32
      %get3A_358 = arith.constant 1 : i32
      %get3A_359 = arith.index_cast %get3A_357 : i32 to index
      %get3A_360 = arith.index_cast %get3A_358 : i32 to index
      %get3A_361 = arith.constant 0 : index
      %get3A_362 = tpu.vector_load %arg11[%get3A_359, %get3A_360, %get3A_361] {strides = array<i32>} : memref<16x4x16xf32, #tpu.memory_space<vmem>>, vector<1x1x16xf32>,
      %get3A_363 = vector.shape_cast %get3A_362 : vector<1x1x16xf32> to vector<16xf32>
      %gt3A_364 = arith.cmpf ogt, %get3A_356, %select_n3A_327 : vector<16xf32>
      %eq3A_365 = arith.cmpf oeq, %get3A_356, %select_n3A_327 : vector<16xf32>
      %lt3A_366 = arith.cmpf olt, %get3A_363, %select_n3A_328 : vector<16xf32>
      %and3A_367 = arith.andi %eq3A_365, %lt3A_366 : vector<16xi1>
      %or3A_368 = arith.ori %gt3A_364, %and3A_367 : vector<16xi1>
      %select_n3A_369 = arith.select %or3A_368, %get3A_356, %select_n3A_327 : vector<16xi1>, vector<16xf32>
      %select_n3A_370 = arith.select %or3A_368, %get3A_363, %select_n3A_328 : vector<16xi1>, vector<16xf32>
      %get3A_371 = arith.constant 5 : i32
      %get3A_372 = arith.constant 2 : i32
      %get3A_373 = arith.index_cast %get3A_371 : i32 to index
      %get3A_374 = arith.index_cast %get3A_372 : i32 to index
      %get3A_375 = arith.constant 0 : index
      %get3A_376 = tpu.vector_load %arg11[%get3A_373, %get3A_374, %get3A_375] {strides = array<i32>} : memref<16x4x16xf32, #tpu.memory_space<vmem>>, vector<1x1x16xf32>,
      %get3A_377 = vector.shape_cast %get3A_376 : vector<1x1x16xf32> to vector<16xf32>
      %get3A_378 = arith.constant 5 : i32
      %get3A_379 = arith.constant 3 : i32
      %get3A_380 = arith.index_cast %get3A_378 : i32 to index
      %get3A_381 = arith.index_cast %get3A_379 : i32 to index
      %get3A_382 = arith.constant 0 : index
      %get3A_383 = tpu.vector_load %arg11[%get3A_380, %get3A_381, %get3A_382] {strides = array<i32>} : memref<16x4x16xf32, #tpu.memory_space<vmem>>, vector<1x1x16xf32>,
      %get3A_384 = vector.shape_cast %get3A_383 : vector<1x1x16xf32> to vector<16xf32>
      %lt3A_385 = arith.cmpf olt, %get3A_377, %select_n3A_348 : vector<16xf32>
      %eq3A_386 = arith.cmpf oeq, %get3A_377, %select_n3A_348 : vector<16xf32>
      %lt3A_387 = arith.cmpf olt, %get3A_384, %select_n3A_349 : vector<16xf32>
      %and3A_388 = arith.andi %eq3A_386, %lt3A_387 : vector<16xi1>
      %or3A_389 = arith.ori %lt3A_385, %and3A_388 : vector<16xi1>
      %select_n3A_390 = arith.select %or3A_389, %get3A_377, %select_n3A_348 : vector<16xi1>, vector<16xf32>
      %select_n3A_391 = arith.select %or3A_389, %get3A_384, %select_n3A_349 : vector<16xi1>, vector<16xf32>
      %get3A_392 = arith.constant 6 : i32
      %get3A_393 = arith.constant 0 : i32
      %get3A_394 = arith.index_cast %get3A_392 : i32 to index
      %get3A_395 = arith.index_cast %get3A_393 : i32 to index
      %get3A_396 = arith.constant 0 : index
      %get3A_397 = tpu.vector_load %arg11[%get3A_394, %get3A_395, %get3A_396] {strides = array<i32>} : memref<16x4x16xf32, #tpu.memory_space<vmem>>, vector<1x1x16xf32>,
      %get3A_398 = vector.shape_cast %get3A_397 : vector<1x1x16xf32> to vector<16xf32>
      %get3A_399 = arith.constant 6 : i32
      %get3A_400 = arith.constant 1 : i32
      %get3A_401 = arith.index_cast %get3A_399 : i32 to index
      %get3A_402 = arith.index_cast %get3A_400 : i32 to index
      %get3A_403 = arith.constant 0 : index
      %get3A_404 = tpu.vector_load %arg11[%get3A_401, %get3A_402, %get3A_403] {strides = array<i32>} : memref<16x4x16xf32, #tpu.memory_space<vmem>>, vector<1x1x16xf32>,
      %get3A_405 = vector.shape_cast %get3A_404 : vector<1x1x16xf32> to vector<16xf32>
      %gt3A_406 = arith.cmpf ogt, %get3A_398, %select_n3A_369 : vector<16xf32>
      %eq3A_407 = arith.cmpf oeq, %get3A_398, %select_n3A_369 : vector<16xf32>
      %lt3A_408 = arith.cmpf olt, %get3A_405, %select_n3A_370 : vector<16xf32>
      %and3A_409 = arith.andi %eq3A_407, %lt3A_408 : vector<16xi1>
      %or3A_410 = arith.ori %gt3A_406, %and3A_409 : vector<16xi1>
      %select_n3A_411 = arith.select %or3A_410, %get3A_398, %select_n3A_369 : vector<16xi1>, vector<16xf32>
      %select_n3A_412 = arith.select %or3A_410, %get3A_405, %select_n3A_370 : vector<16xi1>, vector<16xf32>
      %get3A_413 = arith.constant 6 : i32
      %get3A_414 = arith.constant 2 : i32
      %get3A_415 = arith.index_cast %get3A_413 : i32 to index
      %get3A_416 = arith.index_cast %get3A_414 : i32 to index
      %get3A_417 = arith.constant 0 : index
      %get3A_418 = tpu.vector_load %arg11[%get3A_415, %get3A_416, %get3A_417] {strides = array<i32>} : memref<16x4x16xf32, #tpu.memory_space<vmem>>, vector<1x1x16xf32>,
      %get3A_419 = vector.shape_cast %get3A_418 : vector<1x1x16xf32> to vector<16xf32>
      %get3A_420 = arith.constant 6 : i32
      %get3A_421 = arith.constant 3 : i32
      %get3A_422 = arith.index_cast %get3A_420 : i32 to index
      %get3A_423 = arith.index_cast %get3A_421 : i32 to index
      %get3A_424 = arith.constant 0 : index
      %get3A_425 = tpu.vector_load %arg11[%get3A_422, %get3A_423, %get3A_424] {strides = array<i32>} : memref<16x4x16xf32, #tpu.memory_space<vmem>>, vector<1x1x16xf32>,
      %get3A_426 = vector.shape_cast %get3A_425 : vector<1x1x16xf32> to vector<16xf32>
      %lt3A_427 = arith.cmpf olt, %get3A_419, %select_n3A_390 : vector<16xf32>
      %eq3A_428 = arith.cmpf oeq, %get3A_419, %select_n3A_390 : vector<16xf32>
      %lt3A_429 = arith.cmpf olt, %get3A_426, %select_n3A_391 : vector<16xf32>
      %and3A_430 = arith.andi %eq3A_428, %lt3A_429 : vector<16xi1>
      %or3A_431 = arith.ori %lt3A_427, %and3A_430 : vector<16xi1>
      %select_n3A_432 = arith.select %or3A_431, %get3A_419, %select_n3A_390 : vector<16xi1>, vector<16xf32>
      %select_n3A_433 = arith.select %or3A_431, %get3A_426, %select_n3A_391 : vector<16xi1>, vector<16xf32>
      %get3A_434 = arith.constant 7 : i32
      %get3A_435 = arith.constant 0 : i32
      %get3A_436 = arith.index_cast %get3A_434 : i32 to index
      %get3A_437 = arith.index_cast %get3A_435 : i32 to index
      %get3A_438 = arith.constant 0 : index
      %get3A_439 = tpu.vector_load %arg11[%get3A_436, %get3A_437, %get3A_438] {strides = array<i32>} : memref<16x4x16xf32, #tpu.memory_space<vmem>>, vector<1x1x16xf32>,
      %get3A_440 = vector.shape_cast %get3A_439 : vector<1x1x16xf32> to vector<16xf32>
      %get3A_441 = arith.constant 7 : i32
      %get3A_442 = arith.constant 1 : i32
      %get3A_443 = arith.index_cast %get3A_441 : i32 to index
      %get3A_444 = arith.index_cast %get3A_442 : i32 to index
      %get3A_445 = arith.constant 0 : index
      %get3A_446 = tpu.vector_load %arg11[%get3A_443, %get3A_444, %get3A_445] {strides = array<i32>} : memref<16x4x16xf32, #tpu.memory_space<vmem>>, vector<1x1x16xf32>,
      %get3A_447 = vector.shape_cast %get3A_446 : vector<1x1x16xf32> to vector<16xf32>
      %gt3A_448 = arith.cmpf ogt, %get3A_440, %select_n3A_411 : vector<16xf32>
      %eq3A_449 = arith.cmpf oeq, %get3A_440, %select_n3A_411 : vector<16xf32>
      %lt3A_450 = arith.cmpf olt, %get3A_447, %select_n3A_412 : vector<16xf32>
      %and3A_451 = arith.andi %eq3A_449, %lt3A_450 : vector<16xi1>
      %or3A_452 = arith.ori %gt3A_448, %and3A_451 : vector<16xi1>
      %select_n3A_453 = arith.select %or3A_452, %get3A_440, %select_n3A_411 : vector<16xi1>, vector<16xf32>
      %select_n3A_454 = arith.select %or3A_452, %get3A_447, %select_n3A_412 : vector<16xi1>, vector<16xf32>
      %get3A_455 = arith.constant 7 : i32
      %get3A_456 = arith.constant 2 : i32
      %get3A_457 = arith.index_cast %get3A_455 : i32 to index
      %get3A_458 = arith.index_cast %get3A_456 : i32 to index
      %get3A_459 = arith.constant 0 : index
      %get3A_460 = tpu.vector_load %arg11[%get3A_457, %get3A_458, %get3A_459] {strides = array<i32>} : memref<16x4x16xf32, #tpu.memory_space<vmem>>, vector<1x1x16xf32>,
      %get3A_461 = vector.shape_cast %get3A_460 : vector<1x1x16xf32> to vector<16xf32>
      %get3A_462 = arith.constant 7 : i32
      %get3A_463 = arith.constant 3 : i32
      %get3A_464 = arith.index_cast %get3A_462 : i32 to index
      %get3A_465 = arith.index_cast %get3A_463 : i32 to index
      %get3A_466 = arith.constant 0 : index
      %get3A_467 = tpu.vector_load %arg11[%get3A_464, %get3A_465, %get3A_466] {strides = array<i32>} : memref<16x4x16xf32, #tpu.memory_space<vmem>>, vector<1x1x16xf32>,
      %get3A_468 = vector.shape_cast %get3A_467 : vector<1x1x16xf32> to vector<16xf32>
      %lt3A_469 = arith.cmpf olt, %get3A_461, %select_n3A_432 : vector<16xf32>
      %eq3A_470 = arith.cmpf oeq, %get3A_461, %select_n3A_432 : vector<16xf32>
      %lt3A_471 = arith.cmpf olt, %get3A_468, %select_n3A_433 : vector<16xf32>
      %and3A_472 = arith.andi %eq3A_470, %lt3A_471 : vector<16xi1>
      %or3A_473 = arith.ori %lt3A_469, %and3A_472 : vector<16xi1>
      %select_n3A_474 = arith.select %or3A_473, %get3A_461, %select_n3A_432 : vector<16xi1>, vector<16xf32>
      %select_n3A_475 = arith.select %or3A_473, %get3A_468, %select_n3A_433 : vector<16xi1>, vector<16xf32>
      %get3A_476 = arith.constant 8 : i32
      %get3A_477 = arith.constant 0 : i32
      %get3A_478 = arith.index_cast %get3A_476 : i32 to index
      %get3A_479 = arith.index_cast %get3A_477 : i32 to index
      %get3A_480 = arith.constant 0 : index
      %get3A_481 = tpu.vector_load %arg11[%get3A_478, %get3A_479, %get3A_480] {strides = array<i32>} : memref<16x4x16xf32, #tpu.memory_space<vmem>>, vector<1x1x16xf32>,
      %get3A_482 = vector.shape_cast %get3A_481 : vector<1x1x16xf32> to vector<16xf32>
      %get3A_483 = arith.constant 8 : i32
      %get3A_484 = arith.constant 1 : i32
      %get3A_485 = arith.index_cast %get3A_483 : i32 to index
      %get3A_486 = arith.index_cast %get3A_484 : i32 to index
      %get3A_487 = arith.constant 0 : index
      %get3A_488 = tpu.vector_load %arg11[%get3A_485, %get3A_486, %get3A_487] {strides = array<i32>} : memref<16x4x16xf32, #tpu.memory_space<vmem>>, vector<1x1x16xf32>,
      %get3A_489 = vector.shape_cast %get3A_488 : vector<1x1x16xf32> to vector<16xf32>
      %gt3A_490 = arith.cmpf ogt, %get3A_482, %select_n3A_453 : vector<16xf32>
      %eq3A_491 = arith.cmpf oeq, %get3A_482, %select_n3A_453 : vector<16xf32>
      %lt3A_492 = arith.cmpf olt, %get3A_489, %select_n3A_454 : vector<16xf32>
      %and3A_493 = arith.andi %eq3A_491, %lt3A_492 : vector<16xi1>
      %or3A_494 = arith.ori %gt3A_490, %and3A_493 : vector<16xi1>
      %select_n3A_495 = arith.select %or3A_494, %get3A_482, %select_n3A_453 : vector<16xi1>, vector<16xf32>
      %select_n3A_496 = arith.select %or3A_494, %get3A_489, %select_n3A_454 : vector<16xi1>, vector<16xf32>
      %get3A_497 = arith.constant 8 : i32
      %get3A_498 = arith.constant 2 : i32
      %get3A_499 = arith.index_cast %get3A_497 : i32 to index
      %get3A_500 = arith.index_cast %get3A_498 : i32 to index
      %get3A_501 = arith.constant 0 : index
      %get3A_502 = tpu.vector_load %arg11[%get3A_499, %get3A_500, %get3A_501] {strides = array<i32>} : memref<16x4x16xf32, #tpu.memory_space<vmem>>, vector<1x1x16xf32>,
      %get3A_503 = vector.shape_cast %get3A_502 : vector<1x1x16xf32> to vector<16xf32>
      %get3A_504 = arith.constant 8 : i32
      %get3A_505 = arith.constant 3 : i32
      %get3A_506 = arith.index_cast %get3A_504 : i32 to index
      %get3A_507 = arith.index_cast %get3A_505 : i32 to index
      %get3A_508 = arith.constant 0 : index
      %get3A_509 = tpu.vector_load %arg11[%get3A_506, %get3A_507, %get3A_508] {strides = array<i32>} : memref<16x4x16xf32, #tpu.memory_space<vmem>>, vector<1x1x16xf32>,
      %get3A_510 = vector.shape_cast %get3A_509 : vector<1x1x16xf32> to vector<16xf32>
      %lt3A_511 = arith.cmpf olt, %get3A_503, %select_n3A_474 : vector<16xf32>
      %eq3A_512 = arith.cmpf oeq, %get3A_503, %select_n3A_474 : vector<16xf32>
      %lt3A_513 = arith.cmpf olt, %get3A_510, %select_n3A_475 : vector<16xf32>
      %and3A_514 = arith.andi %eq3A_512, %lt3A_513 : vector<16xi1>
      %or3A_515 = arith.ori %lt3A_511, %and3A_514 : vector<16xi1>
      %select_n3A_516 = arith.select %or3A_515, %get3A_503, %select_n3A_474 : vector<16xi1>, vector<16xf32>
      %select_n3A_517 = arith.select %or3A_515, %get3A_510, %select_n3A_475 : vector<16xi1>, vector<16xf32>
      %get3A_518 = arith.constant 9 : i32
      %get3A_519 = arith.constant 0 : i32
      %get3A_520 = arith.index_cast %get3A_518 : i32 to index
      %get3A_521 = arith.index_cast %get3A_519 : i32 to index
      %get3A_522 = arith.constant 0 : index
      %get3A_523 = tpu.vector_load %arg11[%get3A_520, %get3A_521, %get3A_522] {strides = array<i32>} : memref<16x4x16xf32, #tpu.memory_space<vmem>>, vector<1x1x16xf32>,
      %get3A_524 = vector.shape_cast %get3A_523 : vector<1x1x16xf32> to vector<16xf32>
      %get3A_525 = arith.constant 9 : i32
      %get3A_526 = arith.constant 1 : i32
      %get3A_527 = arith.index_cast %get3A_525 : i32 to index
      %get3A_528 = arith.index_cast %get3A_526 : i32 to index
      %get3A_529 = arith.constant 0 : index
      %get3A_530 = tpu.vector_load %arg11[%get3A_527, %get3A_528, %get3A_529] {strides = array<i32>} : memref<16x4x16xf32, #tpu.memory_space<vmem>>, vector<1x1x16xf32>,
      %get3A_531 = vector.shape_cast %get3A_530 : vector<1x1x16xf32> to vector<16xf32>
      %gt3A_532 = arith.cmpf ogt, %get3A_524, %select_n3A_495 : vector<16xf32>
      %eq3A_533 = arith.cmpf oeq, %get3A_524, %select_n3A_495 : vector<16xf32>
      %lt3A_534 = arith.cmpf olt, %get3A_531, %select_n3A_496 : vector<16xf32>
      %and3A_535 = arith.andi %eq3A_533, %lt3A_534 : vector<16xi1>
      %or3A_536 = arith.ori %gt3A_532, %and3A_535 : vector<16xi1>
      %select_n3A_537 = arith.select %or3A_536, %get3A_524, %select_n3A_495 : vector<16xi1>, vector<16xf32>
      %select_n3A_538 = arith.select %or3A_536, %get3A_531, %select_n3A_496 : vector<16xi1>, vector<16xf32>
      %get3A_539 = arith.constant 9 : i32
      %get3A_540 = arith.constant 2 : i32
      %get3A_541 = arith.index_cast %get3A_539 : i32 to index
      %get3A_542 = arith.index_cast %get3A_540 : i32 to index
      %get3A_543 = arith.constant 0 : index
      %get3A_544 = tpu.vector_load %arg11[%get3A_541, %get3A_542, %get3A_543] {strides = array<i32>} : memref<16x4x16xf32, #tpu.memory_space<vmem>>, vector<1x1x16xf32>,
      %get3A_545 = vector.shape_cast %get3A_544 : vector<1x1x16xf32> to vector<16xf32>
      %get3A_546 = arith.constant 9 : i32
      %get3A_547 = arith.constant 3 : i32
      %get3A_548 = arith.index_cast %get3A_546 : i32 to index
      %get3A_549 = arith.index_cast %get3A_547 : i32 to index
      %get3A_550 = arith.constant 0 : index
      %get3A_551 = tpu.vector_load %arg11[%get3A_548, %get3A_549, %get3A_550] {strides = array<i32>} : memref<16x4x16xf32, #tpu.memory_space<vmem>>, vector<1x1x16xf32>,
      %get3A_552 = vector.shape_cast %get3A_551 : vector<1x1x16xf32> to vector<16xf32>
      %lt3A_553 = arith.cmpf olt, %get3A_545, %select_n3A_516 : vector<16xf32>
      %eq3A_554 = arith.cmpf oeq, %get3A_545, %select_n3A_516 : vector<16xf32>
      %lt3A_555 = arith.cmpf olt, %get3A_552, %select_n3A_517 : vector<16xf32>
      %and3A_556 = arith.andi %eq3A_554, %lt3A_555 : vector<16xi1>
      %or3A_557 = arith.ori %lt3A_553, %and3A_556 : vector<16xi1>
      %select_n3A_558 = arith.select %or3A_557, %get3A_545, %select_n3A_516 : vector<16xi1>, vector<16xf32>
      %select_n3A_559 = arith.select %or3A_557, %get3A_552, %select_n3A_517 : vector<16xi1>, vector<16xf32>
      %get3A_560 = arith.constant 10 : i32
      %get3A_561 = arith.constant 0 : i32
      %get3A_562 = arith.index_cast %get3A_560 : i32 to index
      %get3A_563 = arith.index_cast %get3A_561 : i32 to index
      %get3A_564 = arith.constant 0 : index
      %get3A_565 = tpu.vector_load %arg11[%get3A_562, %get3A_563, %get3A_564] {strides = array<i32>} : memref<16x4x16xf32, #tpu.memory_space<vmem>>, vector<1x1x16xf32>,
      %get3A_566 = vector.shape_cast %get3A_565 : vector<1x1x16xf32> to vector<16xf32>
      %get3A_567 = arith.constant 10 : i32
      %get3A_568 = arith.constant 1 : i32
      %get3A_569 = arith.index_cast %get3A_567 : i32 to index
      %get3A_570 = arith.index_cast %get3A_568 : i32 to index
      %get3A_571 = arith.constant 0 : index
      %get3A_572 = tpu.vector_load %arg11[%get3A_569, %get3A_570, %get3A_571] {strides = array<i32>} : memref<16x4x16xf32, #tpu.memory_space<vmem>>, vector<1x1x16xf32>,
      %get3A_573 = vector.shape_cast %get3A_572 : vector<1x1x16xf32> to vector<16xf32>
      %gt3A_574 = arith.cmpf ogt, %get3A_566, %select_n3A_537 : vector<16xf32>
      %eq3A_575 = arith.cmpf oeq, %get3A_566, %select_n3A_537 : vector<16xf32>
      %lt3A_576 = arith.cmpf olt, %get3A_573, %select_n3A_538 : vector<16xf32>
      %and3A_577 = arith.andi %eq3A_575, %lt3A_576 : vector<16xi1>
      %or3A_578 = arith.ori %gt3A_574, %and3A_577 : vector<16xi1>
      %select_n3A_579 = arith.select %or3A_578, %get3A_566, %select_n3A_537 : vector<16xi1>, vector<16xf32>
      %select_n3A_580 = arith.select %or3A_578, %get3A_573, %select_n3A_538 : vector<16xi1>, vector<16xf32>
      %get3A_581 = arith.constant 10 : i32
      %get3A_582 = arith.constant 2 : i32
      %get3A_583 = arith.index_cast %get3A_581 : i32 to index
      %get3A_584 = arith.index_cast %get3A_582 : i32 to index
      %get3A_585 = arith.constant 0 : index
      %get3A_586 = tpu.vector_load %arg11[%get3A_583, %get3A_584, %get3A_585] {strides = array<i32>} : memref<16x4x16xf32, #tpu.memory_space<vmem>>, vector<1x1x16xf32>,
      %get3A_587 = vector.shape_cast %get3A_586 : vector<1x1x16xf32> to vector<16xf32>
      %get3A_588 = arith.constant 10 : i32
      %get3A_589 = arith.constant 3 : i32
      %get3A_590 = arith.index_cast %get3A_588 : i32 to index
      %get3A_591 = arith.index_cast %get3A_589 : i32 to index
      %get3A_592 = arith.constant 0 : index
      %get3A_593 = tpu.vector_load %arg11[%get3A_590, %get3A_591, %get3A_592] {strides = array<i32>} : memref<16x4x16xf32, #tpu.memory_space<vmem>>, vector<1x1x16xf32>,
      %get3A_594 = vector.shape_cast %get3A_593 : vector<1x1x16xf32> to vector<16xf32>
      %lt3A_595 = arith.cmpf olt, %get3A_587, %select_n3A_558 : vector<16xf32>
      %eq3A_596 = arith.cmpf oeq, %get3A_587, %select_n3A_558 : vector<16xf32>
      %lt3A_597 = arith.cmpf olt, %get3A_594, %select_n3A_559 : vector<16xf32>
      %and3A_598 = arith.andi %eq3A_596, %lt3A_597 : vector<16xi1>
      %or3A_599 = arith.ori %lt3A_595, %and3A_598 : vector<16xi1>
      %select_n3A_600 = arith.select %or3A_599, %get3A_587, %select_n3A_558 : vector<16xi1>, vector<16xf32>
      %select_n3A_601 = arith.select %or3A_599, %get3A_594, %select_n3A_559 : vector<16xi1>, vector<16xf32>
      %get3A_602 = arith.constant 11 : i32
      %get3A_603 = arith.constant 0 : i32
      %get3A_604 = arith.index_cast %get3A_602 : i32 to index
      %get3A_605 = arith.index_cast %get3A_603 : i32 to index
      %get3A_606 = arith.constant 0 : index
      %get3A_607 = tpu.vector_load %arg11[%get3A_604, %get3A_605, %get3A_606] {strides = array<i32>} : memref<16x4x16xf32, #tpu.memory_space<vmem>>, vector<1x1x16xf32>,
      %get3A_608 = vector.shape_cast %get3A_607 : vector<1x1x16xf32> to vector<16xf32>
      %get3A_609 = arith.constant 11 : i32
      %get3A_610 = arith.constant 1 : i32
      %get3A_611 = arith.index_cast %get3A_609 : i32 to index
      %get3A_612 = arith.index_cast %get3A_610 : i32 to index
      %get3A_613 = arith.constant 0 : index
      %get3A_614 = tpu.vector_load %arg11[%get3A_611, %get3A_612, %get3A_613] {strides = array<i32>} : memref<16x4x16xf32, #tpu.memory_space<vmem>>, vector<1x1x16xf32>,
      %get3A_615 = vector.shape_cast %get3A_614 : vector<1x1x16xf32> to vector<16xf32>
      %gt3A_616 = arith.cmpf ogt, %get3A_608, %select_n3A_579 : vector<16xf32>
      %eq3A_617 = arith.cmpf oeq, %get3A_608, %select_n3A_579 : vector<16xf32>
      %lt3A_618 = arith.cmpf olt, %get3A_615, %select_n3A_580 : vector<16xf32>
      %and3A_619 = arith.andi %eq3A_617, %lt3A_618 : vector<16xi1>
      %or3A_620 = arith.ori %gt3A_616, %and3A_619 : vector<16xi1>
      %select_n3A_621 = arith.select %or3A_620, %get3A_608, %select_n3A_579 : vector<16xi1>, vector<16xf32>
      %select_n3A_622 = arith.select %or3A_620, %get3A_615, %select_n3A_580 : vector<16xi1>, vector<16xf32>
      %get3A_623 = arith.constant 11 : i32
      %get3A_624 = arith.constant 2 : i32
      %get3A_625 = arith.index_cast %get3A_623 : i32 to index
      %get3A_626 = arith.index_cast %get3A_624 : i32 to index
      %get3A_627 = arith.constant 0 : index
      %get3A_628 = tpu.vector_load %arg11[%get3A_625, %get3A_626, %get3A_627] {strides = array<i32>} : memref<16x4x16xf32, #tpu.memory_space<vmem>>, vector<1x1x16xf32>,
      %get3A_629 = vector.shape_cast %get3A_628 : vector<1x1x16xf32> to vector<16xf32>
      %get3A_630 = arith.constant 11 : i32
      %get3A_631 = arith.constant 3 : i32
      %get3A_632 = arith.index_cast %get3A_630 : i32 to index
      %get3A_633 = arith.index_cast %get3A_631 : i32 to index
      %get3A_634 = arith.constant 0 : index
      %get3A_635 = tpu.vector_load %arg11[%get3A_632, %get3A_633, %get3A_634] {strides = array<i32>} : memref<16x4x16xf32, #tpu.memory_space<vmem>>, vector<1x1x16xf32>,
      %get3A_636 = vector.shape_cast %get3A_635 : vector<1x1x16xf32> to vector<16xf32>
      %lt3A_637 = arith.cmpf olt, %get3A_629, %select_n3A_600 : vector<16xf32>
      %eq3A_638 = arith.cmpf oeq, %get3A_629, %select_n3A_600 : vector<16xf32>
      %lt3A_639 = arith.cmpf olt, %get3A_636, %select_n3A_601 : vector<16xf32>
      %and3A_640 = arith.andi %eq3A_638, %lt3A_639 : vector<16xi1>
      %or3A_641 = arith.ori %lt3A_637, %and3A_640 : vector<16xi1>
      %select_n3A_642 = arith.select %or3A_641, %get3A_629, %select_n3A_600 : vector<16xi1>, vector<16xf32>
      %select_n3A_643 = arith.select %or3A_641, %get3A_636, %select_n3A_601 : vector<16xi1>, vector<16xf32>
      %get3A_644 = arith.constant 12 : i32
      %get3A_645 = arith.constant 0 : i32
      %get3A_646 = arith.index_cast %get3A_644 : i32 to index
      %get3A_647 = arith.index_cast %get3A_645 : i32 to index
      %get3A_648 = arith.constant 0 : index
      %get3A_649 = tpu.vector_load %arg11[%get3A_646, %get3A_647, %get3A_648] {strides = array<i32>} : memref<16x4x16xf32, #tpu.memory_space<vmem>>, vector<1x1x16xf32>,
      %get3A_650 = vector.shape_cast %get3A_649 : vector<1x1x16xf32> to vector<16xf32>
      %get3A_651 = arith.constant 12 : i32
      %get3A_652 = arith.constant 1 : i32
      %get3A_653 = arith.index_cast %get3A_651 : i32 to index
      %get3A_654 = arith.index_cast %get3A_652 : i32 to index
      %get3A_655 = arith.constant 0 : index
      %get3A_656 = tpu.vector_load %arg11[%get3A_653, %get3A_654, %get3A_655] {strides = array<i32>} : memref<16x4x16xf32, #tpu.memory_space<vmem>>, vector<1x1x16xf32>,
      %get3A_657 = vector.shape_cast %get3A_656 : vector<1x1x16xf32> to vector<16xf32>
      %gt3A_658 = arith.cmpf ogt, %get3A_650, %select_n3A_621 : vector<16xf32>
      %eq3A_659 = arith.cmpf oeq, %get3A_650, %select_n3A_621 : vector<16xf32>
      %lt3A_660 = arith.cmpf olt, %get3A_657, %select_n3A_622 : vector<16xf32>
      %and3A_661 = arith.andi %eq3A_659, %lt3A_660 : vector<16xi1>
      %or3A_662 = arith.ori %gt3A_658, %and3A_661 : vector<16xi1>
      %select_n3A_663 = arith.select %or3A_662, %get3A_650, %select_n3A_621 : vector<16xi1>, vector<16xf32>
      %select_n3A_664 = arith.select %or3A_662, %get3A_657, %select_n3A_622 : vector<16xi1>, vector<16xf32>
      %get3A_665 = arith.constant 12 : i32
      %get3A_666 = arith.constant 2 : i32
      %get3A_667 = arith.index_cast %get3A_665 : i32 to index
      %get3A_668 = arith.index_cast %get3A_666 : i32 to index
      %get3A_669 = arith.constant 0 : index
      %get3A_670 = tpu.vector_load %arg11[%get3A_667, %get3A_668, %get3A_669] {strides = array<i32>} : memref<16x4x16xf32, #tpu.memory_space<vmem>>, vector<1x1x16xf32>,
      %get3A_671 = vector.shape_cast %get3A_670 : vector<1x1x16xf32> to vector<16xf32>
      %get3A_672 = arith.constant 12 : i32
      %get3A_673 = arith.constant 3 : i32
      %get3A_674 = arith.index_cast %get3A_672 : i32 to index
      %get3A_675 = arith.index_cast %get3A_673 : i32 to index
      %get3A_676 = arith.constant 0 : index
      %get3A_677 = tpu.vector_load %arg11[%get3A_674, %get3A_675, %get3A_676] {strides = array<i32>} : memref<16x4x16xf32, #tpu.memory_space<vmem>>, vector<1x1x16xf32>,
      %get3A_678 = vector.shape_cast %get3A_677 : vector<1x1x16xf32> to vector<16xf32>
      %lt3A_679 = arith.cmpf olt, %get3A_671, %select_n3A_642 : vector<16xf32>
      %eq3A_680 = arith.cmpf oeq, %get3A_671, %select_n3A_642 : vector<16xf32>
      %lt3A_681 = arith.cmpf olt, %get3A_678, %select_n3A_643 : vector<16xf32>
      %and3A_682 = arith.andi %eq3A_680, %lt3A_681 : vector<16xi1>
      %or3A_683 = arith.ori %lt3A_679, %and3A_682 : vector<16xi1>
      %select_n3A_684 = arith.select %or3A_683, %get3A_671, %select_n3A_642 : vector<16xi1>, vector<16xf32>
      %select_n3A_685 = arith.select %or3A_683, %get3A_678, %select_n3A_643 : vector<16xi1>, vector<16xf32>
      %get3A_686 = arith.constant 13 : i32
      %get3A_687 = arith.constant 0 : i32
      %get3A_688 = arith.index_cast %get3A_686 : i32 to index
      %get3A_689 = arith.index_cast %get3A_687 : i32 to index
      %get3A_690 = arith.constant 0 : index
      %get3A_691 = tpu.vector_load %arg11[%get3A_688, %get3A_689, %get3A_690] {strides = array<i32>} : memref<16x4x16xf32, #tpu.memory_space<vmem>>, vector<1x1x16xf32>,
      %get3A_692 = vector.shape_cast %get3A_691 : vector<1x1x16xf32> to vector<16xf32>
      %get3A_693 = arith.constant 13 : i32
      %get3A_694 = arith.constant 1 : i32
      %get3A_695 = arith.index_cast %get3A_693 : i32 to index
      %get3A_696 = arith.index_cast %get3A_694 : i32 to index
      %get3A_697 = arith.constant 0 : index
      %get3A_698 = tpu.vector_load %arg11[%get3A_695, %get3A_696, %get3A_697] {strides = array<i32>} : memref<16x4x16xf32, #tpu.memory_space<vmem>>, vector<1x1x16xf32>,
      %get3A_699 = vector.shape_cast %get3A_698 : vector<1x1x16xf32> to vector<16xf32>
      %gt3A_700 = arith.cmpf ogt, %get3A_692, %select_n3A_663 : vector<16xf32>
      %eq3A_701 = arith.cmpf oeq, %get3A_692, %select_n3A_663 : vector<16xf32>
      %lt3A_702 = arith.cmpf olt, %get3A_699, %select_n3A_664 : vector<16xf32>
      %and3A_703 = arith.andi %eq3A_701, %lt3A_702 : vector<16xi1>
      %or3A_704 = arith.ori %gt3A_700, %and3A_703 : vector<16xi1>
      %select_n3A_705 = arith.select %or3A_704, %get3A_692, %select_n3A_663 : vector<16xi1>, vector<16xf32>
      %select_n3A_706 = arith.select %or3A_704, %get3A_699, %select_n3A_664 : vector<16xi1>, vector<16xf32>
      %get3A_707 = arith.constant 13 : i32
      %get3A_708 = arith.constant 2 : i32
      %get3A_709 = arith.index_cast %get3A_707 : i32 to index
      %get3A_710 = arith.index_cast %get3A_708 : i32 to index
      %get3A_711 = arith.constant 0 : index
      %get3A_712 = tpu.vector_load %arg11[%get3A_709, %get3A_710, %get3A_711] {strides = array<i32>} : memref<16x4x16xf32, #tpu.memory_space<vmem>>, vector<1x1x16xf32>,
      %get3A_713 = vector.shape_cast %get3A_712 : vector<1x1x16xf32> to vector<16xf32>
      %get3A_714 = arith.constant 13 : i32
      %get3A_715 = arith.constant 3 : i32
      %get3A_716 = arith.index_cast %get3A_714 : i32 to index
      %get3A_717 = arith.index_cast %get3A_715 : i32 to index
      %get3A_718 = arith.constant 0 : index
      %get3A_719 = tpu.vector_load %arg11[%get3A_716, %get3A_717, %get3A_718] {strides = array<i32>} : memref<16x4x16xf32, #tpu.memory_space<vmem>>, vector<1x1x16xf32>,
      %get3A_720 = vector.shape_cast %get3A_719 : vector<1x1x16xf32> to vector<16xf32>
      %lt3A_721 = arith.cmpf olt, %get3A_713, %select_n3A_684 : vector<16xf32>
      %eq3A_722 = arith.cmpf oeq, %get3A_713, %select_n3A_684 : vector<16xf32>
      %lt3A_723 = arith.cmpf olt, %get3A_720, %select_n3A_685 : vector<16xf32>
      %and3A_724 = arith.andi %eq3A_722, %lt3A_723 : vector<16xi1>
      %or3A_725 = arith.ori %lt3A_721, %and3A_724 : vector<16xi1>
      %select_n3A_726 = arith.select %or3A_725, %get3A_713, %select_n3A_684 : vector<16xi1>, vector<16xf32>
      %select_n3A_727 = arith.select %or3A_725, %get3A_720, %select_n3A_685 : vector<16xi1>, vector<16xf32>
      %get3A_728 = arith.constant 14 : i32
      %get3A_729 = arith.constant 0 : i32
      %get3A_730 = arith.index_cast %get3A_728 : i32 to index
      %get3A_731 = arith.index_cast %get3A_729 : i32 to index
      %get3A_732 = arith.constant 0 : index
      %get3A_733 = tpu.vector_load %arg11[%get3A_730, %get3A_731, %get3A_732] {strides = array<i32>} : memref<16x4x16xf32, #tpu.memory_space<vmem>>, vector<1x1x16xf32>,
      %get3A_734 = vector.shape_cast %get3A_733 : vector<1x1x16xf32> to vector<16xf32>
      %get3A_735 = arith.constant 14 : i32
      %get3A_736 = arith.constant 1 : i32
      %get3A_737 = arith.index_cast %get3A_735 : i32 to index
      %get3A_738 = arith.index_cast %get3A_736 : i32 to index
      %get3A_739 = arith.constant 0 : index
      %get3A_740 = tpu.vector_load %arg11[%get3A_737, %get3A_738, %get3A_739] {strides = array<i32>} : memref<16x4x16xf32, #tpu.memory_space<vmem>>, vector<1x1x16xf32>,
      %get3A_741 = vector.shape_cast %get3A_740 : vector<1x1x16xf32> to vector<16xf32>
      %gt3A_742 = arith.cmpf ogt, %get3A_734, %select_n3A_705 : vector<16xf32>
      %eq3A_743 = arith.cmpf oeq, %get3A_734, %select_n3A_705 : vector<16xf32>
      %lt3A_744 = arith.cmpf olt, %get3A_741, %select_n3A_706 : vector<16xf32>
      %and3A_745 = arith.andi %eq3A_743, %lt3A_744 : vector<16xi1>
      %or3A_746 = arith.ori %gt3A_742, %and3A_745 : vector<16xi1>
      %select_n3A_747 = arith.select %or3A_746, %get3A_734, %select_n3A_705 : vector<16xi1>, vector<16xf32>
      %select_n3A_748 = arith.select %or3A_746, %get3A_741, %select_n3A_706 : vector<16xi1>, vector<16xf32>
      %get3A_749 = arith.constant 14 : i32
      %get3A_750 = arith.constant 2 : i32
      %get3A_751 = arith.index_cast %get3A_749 : i32 to index
      %get3A_752 = arith.index_cast %get3A_750 : i32 to index
      %get3A_753 = arith.constant 0 : index
      %get3A_754 = tpu.vector_load %arg11[%get3A_751, %get3A_752, %get3A_753] {strides = array<i32>} : memref<16x4x16xf32, #tpu.memory_space<vmem>>, vector<1x1x16xf32>,
      %get3A_755 = vector.shape_cast %get3A_754 : vector<1x1x16xf32> to vector<16xf32>
      %get3A_756 = arith.constant 14 : i32
      %get3A_757 = arith.constant 3 : i32
      %get3A_758 = arith.index_cast %get3A_756 : i32 to index
      %get3A_759 = arith.index_cast %get3A_757 : i32 to index
      %get3A_760 = arith.constant 0 : index
      %get3A_761 = tpu.vector_load %arg11[%get3A_758, %get3A_759, %get3A_760] {strides = array<i32>} : memref<16x4x16xf32, #tpu.memory_space<vmem>>, vector<1x1x16xf32>,
      %get3A_762 = vector.shape_cast %get3A_761 : vector<1x1x16xf32> to vector<16xf32>
      %lt3A_763 = arith.cmpf olt, %get3A_755, %select_n3A_726 : vector<16xf32>
      %eq3A_764 = arith.cmpf oeq, %get3A_755, %select_n3A_726 : vector<16xf32>
      %lt3A_765 = arith.cmpf olt, %get3A_762, %select_n3A_727 : vector<16xf32>
      %and3A_766 = arith.andi %eq3A_764, %lt3A_765 : vector<16xi1>
      %or3A_767 = arith.ori %lt3A_763, %and3A_766 : vector<16xi1>
      %select_n3A_768 = arith.select %or3A_767, %get3A_755, %select_n3A_726 : vector<16xi1>, vector<16xf32>
      %select_n3A_769 = arith.select %or3A_767, %get3A_762, %select_n3A_727 : vector<16xi1>, vector<16xf32>
      %get3A_770 = arith.constant 15 : i32
      %get3A_771 = arith.constant 0 : i32
      %get3A_772 = arith.index_cast %get3A_770 : i32 to index
      %get3A_773 = arith.index_cast %get3A_771 : i32 to index
      %get3A_774 = arith.constant 0 : index
      %get3A_775 = tpu.vector_load %arg11[%get3A_772, %get3A_773, %get3A_774] {strides = array<i32>} : memref<16x4x16xf32, #tpu.memory_space<vmem>>, vector<1x1x16xf32>,
      %get3A_776 = vector.shape_cast %get3A_775 : vector<1x1x16xf32> to vector<16xf32>
      %get3A_777 = arith.constant 15 : i32
      %get3A_778 = arith.constant 1 : i32
      %get3A_779 = arith.index_cast %get3A_777 : i32 to index
      %get3A_780 = arith.index_cast %get3A_778 : i32 to index
      %get3A_781 = arith.constant 0 : index
      %get3A_782 = tpu.vector_load %arg11[%get3A_779, %get3A_780, %get3A_781] {strides = array<i32>} : memref<16x4x16xf32, #tpu.memory_space<vmem>>, vector<1x1x16xf32>,
      %get3A_783 = vector.shape_cast %get3A_782 : vector<1x1x16xf32> to vector<16xf32>
      %gt3A_784 = arith.cmpf ogt, %get3A_776, %select_n3A_747 : vector<16xf32>
      %eq3A_785 = arith.cmpf oeq, %get3A_776, %select_n3A_747 : vector<16xf32>
      %lt3A_786 = arith.cmpf olt, %get3A_783, %select_n3A_748 : vector<16xf32>
      %and3A_787 = arith.andi %eq3A_785, %lt3A_786 : vector<16xi1>
      %or3A_788 = arith.ori %gt3A_784, %and3A_787 : vector<16xi1>
      %select_n3A_789 = arith.select %or3A_788, %get3A_776, %select_n3A_747 : vector<16xi1>, vector<16xf32>
      %select_n3A_790 = arith.select %or3A_788, %get3A_783, %select_n3A_748 : vector<16xi1>, vector<16xf32>
      %get3A_791 = arith.constant 15 : i32
      %get3A_792 = arith.constant 2 : i32
      %get3A_793 = arith.index_cast %get3A_791 : i32 to index
      %get3A_794 = arith.index_cast %get3A_792 : i32 to index
      %get3A_795 = arith.constant 0 : index
      %get3A_796 = tpu.vector_load %arg11[%get3A_793, %get3A_794, %get3A_795] {strides = array<i32>} : memref<16x4x16xf32, #tpu.memory_space<vmem>>, vector<1x1x16xf32>,
      %get3A_797 = vector.shape_cast %get3A_796 : vector<1x1x16xf32> to vector<16xf32>
      %get3A_798 = arith.constant 15 : i32
      %get3A_799 = arith.constant 3 : i32
      %get3A_800 = arith.index_cast %get3A_798 : i32 to index
      %get3A_801 = arith.index_cast %get3A_799 : i32 to index
      %get3A_802 = arith.constant 0 : index
      %get3A_803 = tpu.vector_load %arg11[%get3A_800, %get3A_801, %get3A_802] {strides = array<i32>} : memref<16x4x16xf32, #tpu.memory_space<vmem>>, vector<1x1x16xf32>,
      %get3A_804 = vector.shape_cast %get3A_803 : vector<1x1x16xf32> to vector<16xf32>
      %lt3A_805 = arith.cmpf olt, %get3A_797, %select_n3A_768 : vector<16xf32>
      %eq3A_806 = arith.cmpf oeq, %get3A_797, %select_n3A_768 : vector<16xf32>
      %lt3A_807 = arith.cmpf olt, %get3A_804, %select_n3A_769 : vector<16xf32>
      %and3A_808 = arith.andi %eq3A_806, %lt3A_807 : vector<16xi1>
      %or3A_809 = arith.ori %lt3A_805, %and3A_808 : vector<16xi1>
      %select_n3A_810 = arith.select %or3A_809, %get3A_797, %select_n3A_768 : vector<16xi1>, vector<16xf32>
      %select_n3A_811 = arith.select %or3A_809, %get3A_804, %select_n3A_769 : vector<16xi1>, vector<16xf32>
      %add3A_812 = arith.constant 8 : i32
      %add3A_813 = vector.broadcast %add3A_812 : i32 to vector<16xi32>
      %add3A_814 = arith.addi %iota3A, %add3A_813 : vector<16xi32>
      %and3A_815 = arith.constant 15 : i32
      %and3A_816 = vector.broadcast %and3A_815 : i32 to vector<16xi32>
      %and3A_817 = arith.andi %add3A_814, %and3A_816 : vector<16xi32>
      %lt3A_818 = arith.constant 0 : i32
      %lt3A_819 = vector.broadcast %lt3A_818 : i32 to vector<16xi32>
      %lt3A_820 = arith.cmpi slt, %and3A_817, %lt3A_819 : vector<16xi32>
      %add3A_821 = arith.constant 16 : i32
      %add3A_822 = vector.broadcast %add3A_821 : i32 to vector<16xi32>
      %add3A_823 = arith.addi %and3A_817, %add3A_822 : vector<16xi32>
      %select_n3A_824 = arith.select %lt3A_820, %add3A_823, %and3A_817 : vector<16xi1>, vector<16xi32>
      %broadcast_in_dim3A_825 = vector.shape_cast %select_n3A_824 : vector<16xi32> to vector<16x1xi32>
      %gather3A = vector.shape_cast %broadcast_in_dim3A_825 : vector<16x1xi32> to vector<16xi32>
      %gather3A_826 = tpu.dynamic_gather %select_n3A_789[%gather3A] in [0] : vector<16xf32>, vector<16xi32> -> vector<16xf32>
      %lt3A_827 = arith.constant 0 : i32
      %lt3A_828 = vector.broadcast %lt3A_827 : i32 to vector<16xi32>
      %lt3A_829 = arith.cmpi slt, %and3A_817, %lt3A_828 : vector<16xi32>
      %add3A_830 = arith.constant 16 : i32
      %add3A_831 = vector.broadcast %add3A_830 : i32 to vector<16xi32>
      %add3A_832 = arith.addi %and3A_817, %add3A_831 : vector<16xi32>
      %select_n3A_833 = arith.select %lt3A_829, %add3A_832, %and3A_817 : vector<16xi1>, vector<16xi32>
      %broadcast_in_dim3A_834 = vector.shape_cast %select_n3A_833 : vector<16xi32> to vector<16x1xi32>
      %gather3A_835 = vector.shape_cast %broadcast_in_dim3A_834 : vector<16x1xi32> to vector<16xi32>
      %gather3A_836 = tpu.dynamic_gather %select_n3A_790[%gather3A_835] in [0] : vector<16xf32>, vector<16xi32> -> vector<16xf32>
      %gt3A_837 = arith.cmpf ogt, %gather3A_826, %select_n3A_789 : vector<16xf32>
      %eq3A_838 = arith.cmpf oeq, %gather3A_826, %select_n3A_789 : vector<16xf32>
      %lt3A_839 = arith.cmpf olt, %gather3A_836, %select_n3A_790 : vector<16xf32>
      %and3A_840 = arith.andi %eq3A_838, %lt3A_839 : vector<16xi1>
      %or3A_841 = arith.ori %gt3A_837, %and3A_840 : vector<16xi1>
      %select_n3A_842 = arith.select %or3A_841, %gather3A_826, %select_n3A_789 : vector<16xi1>, vector<16xf32>
      %select_n3A_843 = arith.select %or3A_841, %gather3A_836, %select_n3A_790 : vector<16xi1>, vector<16xf32>
      %lt3A_844 = arith.constant 0 : i32
      %lt3A_845 = vector.broadcast %lt3A_844 : i32 to vector<16xi32>
      %lt3A_846 = arith.cmpi slt, %and3A_817, %lt3A_845 : vector<16xi32>
      %add3A_847 = arith.constant 16 : i32
      %add3A_848 = vector.broadcast %add3A_847 : i32 to vector<16xi32>
      %add3A_849 = arith.addi %and3A_817, %add3A_848 : vector<16xi32>
      %select_n3A_850 = arith.select %lt3A_846, %add3A_849, %and3A_817 : vector<16xi1>, vector<16xi32>
      %broadcast_in_dim3A_851 = vector.shape_cast %select_n3A_850 : vector<16xi32> to vector<16x1xi32>
      %gather3A_852 = vector.shape_cast %broadcast_in_dim3A_851 : vector<16x1xi32> to vector<16xi32>
      %gather3A_853 = tpu.dynamic_gather %select_n3A_810[%gather3A_852] in [0] : vector<16xf32>, vector<16xi32> -> vector<16xf32>
      %lt3A_854 = arith.constant 0 : i32
      %lt3A_855 = vector.broadcast %lt3A_854 : i32 to vector<16xi32>
      %lt3A_856 = arith.cmpi slt, %and3A_817, %lt3A_855 : vector<16xi32>
      %add3A_857 = arith.constant 16 : i32
      %add3A_858 = vector.broadcast %add3A_857 : i32 to vector<16xi32>
      %add3A_859 = arith.addi %and3A_817, %add3A_858 : vector<16xi32>
      %select_n3A_860 = arith.select %lt3A_856, %add3A_859, %and3A_817 : vector<16xi1>, vector<16xi32>
      %broadcast_in_dim3A_861 = vector.shape_cast %select_n3A_860 : vector<16xi32> to vector<16x1xi32>
      %gather3A_862 = vector.shape_cast %broadcast_in_dim3A_861 : vector<16x1xi32> to vector<16xi32>
      %gather3A_863 = tpu.dynamic_gather %select_n3A_811[%gather3A_862] in [0] : vector<16xf32>, vector<16xi32> -> vector<16xf32>
      %lt3A_864 = arith.cmpf olt, %gather3A_853, %select_n3A_810 : vector<16xf32>
      %eq3A_865 = arith.cmpf oeq, %gather3A_853, %select_n3A_810 : vector<16xf32>
      %lt3A_866 = arith.cmpf olt, %gather3A_863, %select_n3A_811 : vector<16xf32>
      %and3A_867 = arith.andi %eq3A_865, %lt3A_866 : vector<16xi1>
      %or3A_868 = arith.ori %lt3A_864, %and3A_867 : vector<16xi1>
      %select_n3A_869 = arith.select %or3A_868, %gather3A_853, %select_n3A_810 : vector<16xi1>, vector<16xf32>
      %select_n3A_870 = arith.select %or3A_868, %gather3A_863, %select_n3A_811 : vector<16xi1>, vector<16xf32>
      %add3A_871 = arith.constant 4 : i32
      %add3A_872 = vector.broadcast %add3A_871 : i32 to vector<16xi32>
      %add3A_873 = arith.addi %iota3A, %add3A_872 : vector<16xi32>
      %and3A_874 = arith.constant 15 : i32
      %and3A_875 = vector.broadcast %and3A_874 : i32 to vector<16xi32>
      %and3A_876 = arith.andi %add3A_873, %and3A_875 : vector<16xi32>
      %lt3A_877 = arith.constant 0 : i32
      %lt3A_878 = vector.broadcast %lt3A_877 : i32 to vector<16xi32>
      %lt3A_879 = arith.cmpi slt, %and3A_876, %lt3A_878 : vector<16xi32>
      %add3A_880 = arith.constant 16 : i32
      %add3A_881 = vector.broadcast %add3A_880 : i32 to vector<16xi32>
      %add3A_882 = arith.addi %and3A_876, %add3A_881 : vector<16xi32>
      %select_n3A_883 = arith.select %lt3A_879, %add3A_882, %and3A_876 : vector<16xi1>, vector<16xi32>
      %broadcast_in_dim3A_884 = vector.shape_cast %select_n3A_883 : vector<16xi32> to vector<16x1xi32>
      %gather3A_885 = vector.shape_cast %broadcast_in_dim3A_884 : vector<16x1xi32> to vector<16xi32>
      %gather3A_886 = tpu.dynamic_gather %select_n3A_842[%gather3A_885] in [0] : vector<16xf32>, vector<16xi32> -> vector<16xf32>
      %lt3A_887 = arith.constant 0 : i32
      %lt3A_888 = vector.broadcast %lt3A_887 : i32 to vector<16xi32>
      %lt3A_889 = arith.cmpi slt, %and3A_876, %lt3A_888 : vector<16xi32>
      %add3A_890 = arith.constant 16 : i32
      %add3A_891 = vector.broadcast %add3A_890 : i32 to vector<16xi32>
      %add3A_892 = arith.addi %and3A_876, %add3A_891 : vector<16xi32>
      %select_n3A_893 = arith.select %lt3A_889, %add3A_892, %and3A_876 : vector<16xi1>, vector<16xi32>
      %broadcast_in_dim3A_894 = vector.shape_cast %select_n3A_893 : vector<16xi32> to vector<16x1xi32>
      %gather3A_895 = vector.shape_cast %broadcast_in_dim3A_894 : vector<16x1xi32> to vector<16xi32>
      %gather3A_896 = tpu.dynamic_gather %select_n3A_843[%gather3A_895] in [0] : vector<16xf32>, vector<16xi32> -> vector<16xf32>
      %gt3A_897 = arith.cmpf ogt, %gather3A_886, %select_n3A_842 : vector<16xf32>
      %eq3A_898 = arith.cmpf oeq, %gather3A_886, %select_n3A_842 : vector<16xf32>
      %lt3A_899 = arith.cmpf olt, %gather3A_896, %select_n3A_843 : vector<16xf32>
      %and3A_900 = arith.andi %eq3A_898, %lt3A_899 : vector<16xi1>
      %or3A_901 = arith.ori %gt3A_897, %and3A_900 : vector<16xi1>
      %select_n3A_902 = arith.select %or3A_901, %gather3A_886, %select_n3A_842 : vector<16xi1>, vector<16xf32>
      %select_n3A_903 = arith.select %or3A_901, %gather3A_896, %select_n3A_843 : vector<16xi1>, vector<16xf32>
      %lt3A_904 = arith.constant 0 : i32
      %lt3A_905 = vector.broadcast %lt3A_904 : i32 to vector<16xi32>
      %lt3A_906 = arith.cmpi slt, %and3A_876, %lt3A_905 : vector<16xi32>
      %add3A_907 = arith.constant 16 : i32
      %add3A_908 = vector.broadcast %add3A_907 : i32 to vector<16xi32>
      %add3A_909 = arith.addi %and3A_876, %add3A_908 : vector<16xi32>
      %select_n3A_910 = arith.select %lt3A_906, %add3A_909, %and3A_876 : vector<16xi1>, vector<16xi32>
      %broadcast_in_dim3A_911 = vector.shape_cast %select_n3A_910 : vector<16xi32> to vector<16x1xi32>
      %gather3A_912 = vector.shape_cast %broadcast_in_dim3A_911 : vector<16x1xi32> to vector<16xi32>
      %gather3A_913 = tpu.dynamic_gather %select_n3A_869[%gather3A_912] in [0] : vector<16xf32>, vector<16xi32> -> vector<16xf32>
      %lt3A_914 = arith.constant 0 : i32
      %lt3A_915 = vector.broadcast %lt3A_914 : i32 to vector<16xi32>
      %lt3A_916 = arith.cmpi slt, %and3A_876, %lt3A_915 : vector<16xi32>
      %add3A_917 = arith.constant 16 : i32
      %add3A_918 = vector.broadcast %add3A_917 : i32 to vector<16xi32>
      %add3A_919 = arith.addi %and3A_876, %add3A_918 : vector<16xi32>
      %select_n3A_920 = arith.select %lt3A_916, %add3A_919, %and3A_876 : vector<16xi1>, vector<16xi32>
      %broadcast_in_dim3A_921 = vector.shape_cast %select_n3A_920 : vector<16xi32> to vector<16x1xi32>
      %gather3A_922 = vector.shape_cast %broadcast_in_dim3A_921 : vector<16x1xi32> to vector<16xi32>
      %gather3A_923 = tpu.dynamic_gather %select_n3A_870[%gather3A_922] in [0] : vector<16xf32>, vector<16xi32> -> vector<16xf32>
      %lt3A_924 = arith.cmpf olt, %gather3A_913, %select_n3A_869 : vector<16xf32>
      %eq3A_925 = arith.cmpf oeq, %gather3A_913, %select_n3A_869 : vector<16xf32>
      %lt3A_926 = arith.cmpf olt, %gather3A_923, %select_n3A_870 : vector<16xf32>
      %and3A_927 = arith.andi %eq3A_925, %lt3A_926 : vector<16xi1>
      %or3A_928 = arith.ori %lt3A_924, %and3A_927 : vector<16xi1>
      %select_n3A_929 = arith.select %or3A_928, %gather3A_913, %select_n3A_869 : vector<16xi1>, vector<16xf32>
      %select_n3A_930 = arith.select %or3A_928, %gather3A_923, %select_n3A_870 : vector<16xi1>, vector<16xf32>
      %add3A_931 = arith.constant 2 : i32
      %add3A_932 = vector.broadcast %add3A_931 : i32 to vector<16xi32>
      %add3A_933 = arith.addi %iota3A, %add3A_932 : vector<16xi32>
      %and3A_934 = arith.constant 15 : i32
      %and3A_935 = vector.broadcast %and3A_934 : i32 to vector<16xi32>
      %and3A_936 = arith.andi %add3A_933, %and3A_935 : vector<16xi32>
      %lt3A_937 = arith.constant 0 : i32
      %lt3A_938 = vector.broadcast %lt3A_937 : i32 to vector<16xi32>
      %lt3A_939 = arith.cmpi slt, %and3A_936, %lt3A_938 : vector<16xi32>
      %add3A_940 = arith.constant 16 : i32
      %add3A_941 = vector.broadcast %add3A_940 : i32 to vector<16xi32>
      %add3A_942 = arith.addi %and3A_936, %add3A_941 : vector<16xi32>
      %select_n3A_943 = arith.select %lt3A_939, %add3A_942, %and3A_936 : vector<16xi1>, vector<16xi32>
      %broadcast_in_dim3A_944 = vector.shape_cast %select_n3A_943 : vector<16xi32> to vector<16x1xi32>
      %gather3A_945 = vector.shape_cast %broadcast_in_dim3A_944 : vector<16x1xi32> to vector<16xi32>
      %gather3A_946 = tpu.dynamic_gather %select_n3A_902[%gather3A_945] in [0] : vector<16xf32>, vector<16xi32> -> vector<16xf32>
      %lt3A_947 = arith.constant 0 : i32
      %lt3A_948 = vector.broadcast %lt3A_947 : i32 to vector<16xi32>
      %lt3A_949 = arith.cmpi slt, %and3A_936, %lt3A_948 : vector<16xi32>
      %add3A_950 = arith.constant 16 : i32
      %add3A_951 = vector.broadcast %add3A_950 : i32 to vector<16xi32>
      %add3A_952 = arith.addi %and3A_936, %add3A_951 : vector<16xi32>
      %select_n3A_953 = arith.select %lt3A_949, %add3A_952, %and3A_936 : vector<16xi1>, vector<16xi32>
      %broadcast_in_dim3A_954 = vector.shape_cast %select_n3A_953 : vector<16xi32> to vector<16x1xi32>
      %gather3A_955 = vector.shape_cast %broadcast_in_dim3A_954 : vector<16x1xi32> to vector<16xi32>
      %gather3A_956 = tpu.dynamic_gather %select_n3A_903[%gather3A_955] in [0] : vector<16xf32>, vector<16xi32> -> vector<16xf32>
      %gt3A_957 = arith.cmpf ogt, %gather3A_946, %select_n3A_902 : vector<16xf32>
      %eq3A_958 = arith.cmpf oeq, %gather3A_946, %select_n3A_902 : vector<16xf32>
      %lt3A_959 = arith.cmpf olt, %gather3A_956, %select_n3A_903 : vector<16xf32>
      %and3A_960 = arith.andi %eq3A_958, %lt3A_959 : vector<16xi1>
      %or3A_961 = arith.ori %gt3A_957, %and3A_960 : vector<16xi1>
      %select_n3A_962 = arith.select %or3A_961, %gather3A_946, %select_n3A_902 : vector<16xi1>, vector<16xf32>
      %select_n3A_963 = arith.select %or3A_961, %gather3A_956, %select_n3A_903 : vector<16xi1>, vector<16xf32>
      %lt3A_964 = arith.constant 0 : i32
      %lt3A_965 = vector.broadcast %lt3A_964 : i32 to vector<16xi32>
      %lt3A_966 = arith.cmpi slt, %and3A_936, %lt3A_965 : vector<16xi32>
      %add3A_967 = arith.constant 16 : i32
      %add3A_968 = vector.broadcast %add3A_967 : i32 to vector<16xi32>
      %add3A_969 = arith.addi %and3A_936, %add3A_968 : vector<16xi32>
      %select_n3A_970 = arith.select %lt3A_966, %add3A_969, %and3A_936 : vector<16xi1>, vector<16xi32>
      %broadcast_in_dim3A_971 = vector.shape_cast %select_n3A_970 : vector<16xi32> to vector<16x1xi32>
      %gather3A_972 = vector.shape_cast %broadcast_in_dim3A_971 : vector<16x1xi32> to vector<16xi32>
      %gather3A_973 = tpu.dynamic_gather %select_n3A_929[%gather3A_972] in [0] : vector<16xf32>, vector<16xi32> -> vector<16xf32>
      %lt3A_974 = arith.constant 0 : i32
      %lt3A_975 = vector.broadcast %lt3A_974 : i32 to vector<16xi32>
      %lt3A_976 = arith.cmpi slt, %and3A_936, %lt3A_975 : vector<16xi32>
      %add3A_977 = arith.constant 16 : i32
      %add3A_978 = vector.broadcast %add3A_977 : i32 to vector<16xi32>
      %add3A_979 = arith.addi %and3A_936, %add3A_978 : vector<16xi32>
      %select_n3A_980 = arith.select %lt3A_976, %add3A_979, %and3A_936 : vector<16xi1>, vector<16xi32>
      %broadcast_in_dim3A_981 = vector.shape_cast %select_n3A_980 : vector<16xi32> to vector<16x1xi32>
      %gather3A_982 = vector.shape_cast %broadcast_in_dim3A_981 : vector<16x1xi32> to vector<16xi32>
      %gather3A_983 = tpu.dynamic_gather %select_n3A_930[%gather3A_982] in [0] : vector<16xf32>, vector<16xi32> -> vector<16xf32>
      %lt3A_984 = arith.cmpf olt, %gather3A_973, %select_n3A_929 : vector<16xf32>
      %eq3A_985 = arith.cmpf oeq, %gather3A_973, %select_n3A_929 : vector<16xf32>
      %lt3A_986 = arith.cmpf olt, %gather3A_983, %select_n3A_930 : vector<16xf32>
      %and3A_987 = arith.andi %eq3A_985, %lt3A_986 : vector<16xi1>
      %or3A_988 = arith.ori %lt3A_984, %and3A_987 : vector<16xi1>
      %select_n3A_989 = arith.select %or3A_988, %gather3A_973, %select_n3A_929 : vector<16xi1>, vector<16xf32>
      %select_n3A_990 = arith.select %or3A_988, %gather3A_983, %select_n3A_930 : vector<16xi1>, vector<16xf32>
      %add3A_991 = arith.constant 1 : i32
      %add3A_992 = vector.broadcast %add3A_991 : i32 to vector<16xi32>
      %add3A_993 = arith.addi %iota3A, %add3A_992 : vector<16xi32>
      %and3A_994 = arith.constant 15 : i32
      %and3A_995 = vector.broadcast %and3A_994 : i32 to vector<16xi32>
      %and3A_996 = arith.andi %add3A_993, %and3A_995 : vector<16xi32>
      %lt3A_997 = arith.constant 0 : i32
      %lt3A_998 = vector.broadcast %lt3A_997 : i32 to vector<16xi32>
      %lt3A_999 = arith.cmpi slt, %and3A_996, %lt3A_998 : vector<16xi32>
      %add3A_1000 = arith.constant 16 : i32
      %add3A_1001 = vector.broadcast %add3A_1000 : i32 to vector<16xi32>
      %add3A_1002 = arith.addi %and3A_996, %add3A_1001 : vector<16xi32>
      %select_n3A_1003 = arith.select %lt3A_999, %add3A_1002, %and3A_996 : vector<16xi1>, vector<16xi32>
      %broadcast_in_dim3A_1004 = vector.shape_cast %select_n3A_1003 : vector<16xi32> to vector<16x1xi32>
      %gather3A_1005 = vector.shape_cast %broadcast_in_dim3A_1004 : vector<16x1xi32> to vector<16xi32>
      %gather3A_1006 = tpu.dynamic_gather %select_n3A_962[%gather3A_1005] in [0] : vector<16xf32>, vector<16xi32> -> vector<16xf32>
      %lt3A_1007 = arith.constant 0 : i32
      %lt3A_1008 = vector.broadcast %lt3A_1007 : i32 to vector<16xi32>
      %lt3A_1009 = arith.cmpi slt, %and3A_996, %lt3A_1008 : vector<16xi32>
      %add3A_1010 = arith.constant 16 : i32
      %add3A_1011 = vector.broadcast %add3A_1010 : i32 to vector<16xi32>
      %add3A_1012 = arith.addi %and3A_996, %add3A_1011 : vector<16xi32>
      %select_n3A_1013 = arith.select %lt3A_1009, %add3A_1012, %and3A_996 : vector<16xi1>, vector<16xi32>
      %broadcast_in_dim3A_1014 = vector.shape_cast %select_n3A_1013 : vector<16xi32> to vector<16x1xi32>
      %gather3A_1015 = vector.shape_cast %broadcast_in_dim3A_1014 : vector<16x1xi32> to vector<16xi32>
      %gather3A_1016 = tpu.dynamic_gather %select_n3A_963[%gather3A_1015] in [0] : vector<16xf32>, vector<16xi32> -> vector<16xf32>
      %gt3A_1017 = arith.cmpf ogt, %gather3A_1006, %select_n3A_962 : vector<16xf32>
      %eq3A_1018 = arith.cmpf oeq, %gather3A_1006, %select_n3A_962 : vector<16xf32>
      %lt3A_1019 = arith.cmpf olt, %gather3A_1016, %select_n3A_963 : vector<16xf32>
      %and3A_1020 = arith.andi %eq3A_1018, %lt3A_1019 : vector<16xi1>
      %or3A_1021 = arith.ori %gt3A_1017, %and3A_1020 : vector<16xi1>
      %select_n3A_1022 = arith.select %or3A_1021, %gather3A_1006, %select_n3A_962 : vector<16xi1>, vector<16xf32>
      %select_n3A_1023 = arith.select %or3A_1021, %gather3A_1016, %select_n3A_963 : vector<16xi1>, vector<16xf32>
      %lt3A_1024 = arith.constant 0 : i32
      %lt3A_1025 = vector.broadcast %lt3A_1024 : i32 to vector<16xi32>
      %lt3A_1026 = arith.cmpi slt, %and3A_996, %lt3A_1025 : vector<16xi32>
      %add3A_1027 = arith.constant 16 : i32
      %add3A_1028 = vector.broadcast %add3A_1027 : i32 to vector<16xi32>
      %add3A_1029 = arith.addi %and3A_996, %add3A_1028 : vector<16xi32>
      %select_n3A_1030 = arith.select %lt3A_1026, %add3A_1029, %and3A_996 : vector<16xi1>, vector<16xi32>
      %broadcast_in_dim3A_1031 = vector.shape_cast %select_n3A_1030 : vector<16xi32> to vector<16x1xi32>
      %gather3A_1032 = vector.shape_cast %broadcast_in_dim3A_1031 : vector<16x1xi32> to vector<16xi32>
      %gather3A_1033 = tpu.dynamic_gather %select_n3A_989[%gather3A_1032] in [0] : vector<16xf32>, vector<16xi32> -> vector<16xf32>
      %lt3A_1034 = arith.constant 0 : i32
      %lt3A_1035 = vector.broadcast %lt3A_1034 : i32 to vector<16xi32>
      %lt3A_1036 = arith.cmpi slt, %and3A_996, %lt3A_1035 : vector<16xi32>
      %add3A_1037 = arith.constant 16 : i32
      %add3A_1038 = vector.broadcast %add3A_1037 : i32 to vector<16xi32>
      %add3A_1039 = arith.addi %and3A_996, %add3A_1038 : vector<16xi32>
      %select_n3A_1040 = arith.select %lt3A_1036, %add3A_1039, %and3A_996 : vector<16xi1>, vector<16xi32>
      %broadcast_in_dim3A_1041 = vector.shape_cast %select_n3A_1040 : vector<16xi32> to vector<16x1xi32>
      %gather3A_1042 = vector.shape_cast %broadcast_in_dim3A_1041 : vector<16x1xi32> to vector<16xi32>
      %gather3A_1043 = tpu.dynamic_gather %select_n3A_990[%gather3A_1042] in [0] : vector<16xf32>, vector<16xi32> -> vector<16xf32>
      %lt3A_1044 = arith.cmpf olt, %gather3A_1033, %select_n3A_989 : vector<16xf32>
      %eq3A_1045 = arith.cmpf oeq, %gather3A_1033, %select_n3A_989 : vector<16xf32>
      %lt3A_1046 = arith.cmpf olt, %gather3A_1043, %select_n3A_990 : vector<16xf32>
      %and3A_1047 = arith.andi %eq3A_1045, %lt3A_1046 : vector<16xi1>
      %or3A_1048 = arith.ori %lt3A_1044, %and3A_1047 : vector<16xi1>
      %select_n3A_1049 = arith.select %or3A_1048, %gather3A_1033, %select_n3A_989 : vector<16xi1>, vector<16xf32>
      %select_n3A_1050 = arith.select %or3A_1048, %gather3A_1043, %select_n3A_990 : vector<16xi1>, vector<16xf32>
      %eq3A_1051 = arith.constant 0 : i32
      %eq3A_1052 = vector.broadcast %eq3A_1051 : i32 to vector<16xi32>
      %eq3A_1053 = arith.cmpi eq, %iota3A, %eq3A_1052 : vector<16xi32>
      %eq3A_1054 = arith.constant 8 : i32
      %eq3A_1055 = vector.broadcast %eq3A_1054 : i32 to vector<16xi32>
      %eq3A_1056 = arith.cmpi eq, %iota3A, %eq3A_1055 : vector<16xi32>
      %jit3A_1057 = arith.constant 0.000000e+00 : f32
      %broadcast_in_dim3A_1058 = vector.broadcast %jit3A_1057 : f32 to vector<16xf32>
      %select_n3A_1059 = arith.select %eq3A_1056, %select_n3A_1049, %broadcast_in_dim3A_1058 : vector<16xi1>, vector<16xf32>
      %select_n3A_1060 = arith.select %eq3A_1053, %select_n3A_1022, %select_n3A_1059 : vector<16xi1>, vector<16xf32>
      %swap3A_1061 = arith.constant 0 : index
      %swap3A_1062 = tpu.vector_load %arg13[%swap3A_1061] {strides = array<i32>} : memref<16xf32, #tpu.memory_space<vmem>>, vector<16xf32>,
      %swap3A_1063 = vector.shape_cast %swap3A_1062 : vector<16xf32> to vector<16xf32>
      %swap3A_1064 = vector.shape_cast %select_n3A_1060 : vector<16xf32> to vector<16xf32>
      tpu.vector_store %arg13[%swap3A_1061], %swap3A_1064 {strides = array<i32>} : memref<16xf32, #tpu.memory_space<vmem>>, vector<16xf32>,
      %eq3A_1065 = arith.constant 0 : i32
      %eq3A_1066 = vector.broadcast %eq3A_1065 : i32 to vector<16xi32>
      %eq3A_1067 = arith.cmpi eq, %iota3A, %eq3A_1066 : vector<16xi32>
      %convert_element_type3A_1068 = arith.fptosi %select_n3A_1023 : vector<16xf32> to vector<16xi32>
      %eq3A_1069 = arith.constant 1 : i32
      %eq3A_1070 = vector.broadcast %eq3A_1069 : i32 to vector<16xi32>
      %eq3A_1071 = arith.cmpi eq, %iota3A, %eq3A_1070 : vector<16xi32>
      %convert_element_type3A_1072 = arith.fptosi %select_n3A_1050 : vector<16xf32> to vector<16xi32>
      %jit3A_1073 = arith.constant 0 : i32
      %broadcast_in_dim3A_1074 = vector.broadcast %jit3A_1073 : i32 to vector<16xi32>
      %select_n3A_1075 = arith.select %eq3A_1071, %convert_element_type3A_1072, %broadcast_in_dim3A_1074 : vector<16xi1>, vector<16xi32>
      %select_n3A_1076 = arith.select %eq3A_1067, %convert_element_type3A_1068, %select_n3A_1075 : vector<16xi1>, vector<16xi32>
      %swap3A_1077 = arith.constant 0 : index
      %swap3A_1078 = tpu.vector_load %arg12[%swap3A_1077] {strides = array<i32>} : memref<16xi32, #tpu.memory_space<vmem>>, vector<16xi32>,
      %swap3A_1079 = vector.shape_cast %swap3A_1078 : vector<16xi32> to vector<16xi32>
      %swap3A_1080 = vector.shape_cast %select_n3A_1076 : vector<16xi32> to vector<16xi32>
      tpu.vector_store %arg12[%swap3A_1077], %swap3A_1080 {strides = array<i32>} : memref<16xi32, #tpu.memory_space<vmem>>, vector<16xi32>,
      %dma_start3A = arith.constant 0 : i32
      %dma_start3A_1081 = tpu.memref_slice %arg13[%dma_start3A] : memref<16xf32, #tpu.memory_space<vmem>> -> memref<1xf32, #tpu.memory_space<vmem>>
      %dma_start3A_1082 = arith.constant 0 : i32
      %dma_start3A_1083 = tpu.memref_slice %arg13[%dma_start3A_1082] : memref<16xf32, #tpu.memory_space<vmem>> -> memref<1xf32, #tpu.memory_space<vmem>>
      tpu.enqueue_dma source(%dma_start3A_1083 : memref<1xf32, #tpu.memory_space<vmem>>) target(%arg5 : memref<1xf32, #tpu.memory_space<hbm>>) target_semaphore(%arg15 : memref<!tpu.dma_semaphore, #tpu.memory_space<semaphore_mem>>)
      %dma_start3A_1084 = arith.constant 8 : i32
      %dma_start3A_1085 = tpu.memref_slice %arg13[%dma_start3A_1084] : memref<16xf32, #tpu.memory_space<vmem>> -> memref<1xf32, #tpu.memory_space<vmem>>
      %dma_start3A_1086 = arith.constant 8 : i32
      %dma_start3A_1087 = tpu.memref_slice %arg13[%dma_start3A_1086] : memref<16xf32, #tpu.memory_space<vmem>> -> memref<1xf32, #tpu.memory_space<vmem>>
      tpu.enqueue_dma source(%dma_start3A_1087 : memref<1xf32, #tpu.memory_space<vmem>>) target(%arg7 : memref<1xf32, #tpu.memory_space<hbm>>) target_semaphore(%arg15 : memref<!tpu.dma_semaphore, #tpu.memory_space<semaphore_mem>>)
      %dma_start3A_1088 = arith.constant 0 : i32
      %dma_start3A_1089 = arith.constant 0 : i32
      %dma_start3A_1090 = tpu.memref_slice %arg3[%dma_start3A_1088, %dma_start3A_1089] : memref<100000x128xf32, #tpu.memory_space<hbm>> -> memref<100000x128xf32, #tpu.memory_space<hbm>>
      tpu.enqueue_indirect_dma source(%dma_start3A_1090 : memref<100000x128xf32, #tpu.memory_space<hbm>>) target(%arg14 : memref<16x128xf32, #tpu.memory_space<vmem>>) offsets(%arg12 : memref<16xi32, #tpu.memory_space<vmem>>) semaphore(%arg16 : memref<!tpu.dma_semaphore, #tpu.memory_space<semaphore_mem>>)
      %dma_wait3A = arith.constant 0 : i32
      %dma_wait3A_1091 = arith.constant 0 : i32
      %dma_wait3A_1092 = tpu.memref_slice %arg3[%dma_wait3A, %dma_wait3A_1091] : memref<100000x128xf32, #tpu.memory_space<hbm>> -> memref<100000x128xf32, #tpu.memory_space<hbm>>
      tpu.wait_indirect_dma semaphore(%arg16 : memref<!tpu.dma_semaphore, #tpu.memory_space<semaphore_mem>>) src(%dma_wait3A_1092 : memref<100000x128xf32, #tpu.memory_space<hbm>>) dst(%arg14 : memref<16x128xf32, #tpu.memory_space<vmem>>)
      %dma_start3A_1093 = arith.constant 0 : i32
      %dma_start3A_1094 = arith.constant 0 : i32
      %dma_start3A_1095 = tpu.memref_slice %arg14[%dma_start3A_1093, %dma_start3A_1094] : memref<16x128xf32, #tpu.memory_space<vmem>> -> memref<1x128xf32, #tpu.memory_space<vmem>>
      %dma_start3A_1096 = tpu.memref_squeeze %dma_start3A_1095 : memref<1x128xf32, #tpu.memory_space<vmem>> -> memref<128xf32, #tpu.memory_space<vmem>>
      %dma_start3A_1097 = arith.constant 0 : i32
      %dma_start3A_1098 = tpu.memref_slice %arg14[%dma_start3A_1093, %dma_start3A_1097] : memref<16x128xf32, #tpu.memory_space<vmem>> -> memref<1x128xf32, #tpu.memory_space<vmem>>
      %dma_start3A_1099 = tpu.memref_squeeze %dma_start3A_1098 : memref<1x128xf32, #tpu.memory_space<vmem>> -> memref<128xf32, #tpu.memory_space<vmem>>
      tpu.enqueue_dma source(%dma_start3A_1099 : memref<128xf32, #tpu.memory_space<vmem>>) target(%arg4 : memref<128xf32, #tpu.memory_space<hbm>>) target_semaphore(%arg15 : memref<!tpu.dma_semaphore, #tpu.memory_space<semaphore_mem>>)
      %dma_start3A_1100 = arith.constant 1 : i32
      %dma_start3A_1101 = arith.constant 0 : i32
      %dma_start3A_1102 = tpu.memref_slice %arg14[%dma_start3A_1100, %dma_start3A_1101] : memref<16x128xf32, #tpu.memory_space<vmem>> -> memref<1x128xf32, #tpu.memory_space<vmem>>
      %dma_start3A_1103 = tpu.memref_squeeze %dma_start3A_1102 : memref<1x128xf32, #tpu.memory_space<vmem>> -> memref<128xf32, #tpu.memory_space<vmem>>
      %dma_start3A_1104 = arith.constant 0 : i32
      %dma_start3A_1105 = tpu.memref_slice %arg14[%dma_start3A_1100, %dma_start3A_1104] : memref<16x128xf32, #tpu.memory_space<vmem>> -> memref<1x128xf32, #tpu.memory_space<vmem>>
      %dma_start3A_1106 = tpu.memref_squeeze %dma_start3A_1105 : memref<1x128xf32, #tpu.memory_space<vmem>> -> memref<128xf32, #tpu.memory_space<vmem>>
      tpu.enqueue_dma source(%dma_start3A_1106 : memref<128xf32, #tpu.memory_space<vmem>>) target(%arg6 : memref<128xf32, #tpu.memory_space<hbm>>) target_semaphore(%arg15 : memref<!tpu.dma_semaphore, #tpu.memory_space<semaphore_mem>>)
      %dma_wait3A_1107 = arith.constant 0 : i32
      %dma_wait3A_1108 = tpu.memref_slice %arg13[%dma_wait3A_1107] : memref<16xf32, #tpu.memory_space<vmem>> -> memref<1xf32, #tpu.memory_space<vmem>>
      %dma_wait3A_1109 = arith.constant 0 : i32
      %dma_wait3A_1110 = tpu.memref_slice %arg13[%dma_wait3A_1109] : memref<16xf32, #tpu.memory_space<vmem>> -> memref<1xf32, #tpu.memory_space<vmem>>
      tpu.wait_dma2 semaphore(%arg15 : memref<!tpu.dma_semaphore, #tpu.memory_space<semaphore_mem>>) src(%dma_wait3A_1110 : memref<1xf32, #tpu.memory_space<vmem>>) dst(%arg5 : memref<1xf32, #tpu.memory_space<hbm>>)
      %dma_wait3A_1111 = arith.constant 8 : i32
      %dma_wait3A_1112 = tpu.memref_slice %arg13[%dma_wait3A_1111] : memref<16xf32, #tpu.memory_space<vmem>> -> memref<1xf32, #tpu.memory_space<vmem>>
      %dma_wait3A_1113 = arith.constant 8 : i32
      %dma_wait3A_1114 = tpu.memref_slice %arg13[%dma_wait3A_1113] : memref<16xf32, #tpu.memory_space<vmem>> -> memref<1xf32, #tpu.memory_space<vmem>>
      tpu.wait_dma2 semaphore(%arg15 : memref<!tpu.dma_semaphore, #tpu.memory_space<semaphore_mem>>) src(%dma_wait3A_1114 : memref<1xf32, #tpu.memory_space<vmem>>) dst(%arg7 : memref<1xf32, #tpu.memory_space<hbm>>)
      %dma_wait3A_1115 = arith.constant 0 : i32
      %dma_wait3A_1116 = arith.constant 0 : i32
      %dma_wait3A_1117 = tpu.memref_slice %arg14[%dma_wait3A_1115, %dma_wait3A_1116] : memref<16x128xf32, #tpu.memory_space<vmem>> -> memref<1x128xf32, #tpu.memory_space<vmem>>
      %dma_wait3A_1118 = tpu.memref_squeeze %dma_wait3A_1117 : memref<1x128xf32, #tpu.memory_space<vmem>> -> memref<128xf32, #tpu.memory_space<vmem>>
      %dma_wait3A_1119 = arith.constant 0 : i32
      %dma_wait3A_1120 = tpu.memref_slice %arg14[%dma_wait3A_1115, %dma_wait3A_1119] : memref<16x128xf32, #tpu.memory_space<vmem>> -> memref<1x128xf32, #tpu.memory_space<vmem>>
      %dma_wait3A_1121 = tpu.memref_squeeze %dma_wait3A_1120 : memref<1x128xf32, #tpu.memory_space<vmem>> -> memref<128xf32, #tpu.memory_space<vmem>>
      tpu.wait_dma2 semaphore(%arg15 : memref<!tpu.dma_semaphore, #tpu.memory_space<semaphore_mem>>) src(%dma_wait3A_1121 : memref<128xf32, #tpu.memory_space<vmem>>) dst(%arg4 : memref<128xf32, #tpu.memory_space<hbm>>)
      %dma_wait3A_1122 = arith.constant 1 : i32
      %dma_wait3A_1123 = arith.constant 0 : i32
      %dma_wait3A_1124 = tpu.memref_slice %arg14[%dma_wait3A_1122, %dma_wait3A_1123] : memref<16x128xf32, #tpu.memory_space<vmem>> -> memref<1x128xf32, #tpu.memory_space<vmem>>
      %dma_wait3A_1125 = tpu.memref_squeeze %dma_wait3A_1124 : memref<1x128xf32, #tpu.memory_space<vmem>> -> memref<128xf32, #tpu.memory_space<vmem>>
      %dma_wait3A_1126 = arith.constant 0 : i32
      %dma_wait3A_1127 = tpu.memref_slice %arg14[%dma_wait3A_1122, %dma_wait3A_1126] : memref<16x128xf32, #tpu.memory_space<vmem>> -> memref<1x128xf32, #tpu.memory_space<vmem>>
      %dma_wait3A_1128 = tpu.memref_squeeze %dma_wait3A_1127 : memref<1x128xf32, #tpu.memory_space<vmem>> -> memref<128xf32, #tpu.memory_space<vmem>>
      tpu.wait_dma2 semaphore(%arg15 : memref<!tpu.dma_semaphore, #tpu.memory_space<semaphore_mem>>) src(%dma_wait3A_1128 : memref<128xf32, #tpu.memory_space<vmem>>) dst(%arg6 : memref<128xf32, #tpu.memory_space<hbm>>)
    } else {
    }
    return
  }
}

</mosaic_0001>

<sc_bundles>
// kernel: _infer.3.cloned.1.call-start
scs
__scs_entry_jumppad:
0x0: {  	(pc) =	sbr.rel $0x88, $3  }
0x1: {  	(tag) =	ssettag $0x0;
	lr =	simm.s32 $0x1  }
0x2: {  	[smem:$0x3F9F] =	sst lr;
	_ =	strace $0xD0000000  }
0x3: {  	_ = 	snop  }
0x4: {  	_ = 	snop  }
0x5: {  	_ = 	snop  }
0x6: {  	_ = 	snop  }
0x7: {  	_ = 	snop  }
__scs_overlays_trampoline_lowered:
0x8: {  	[smem:$0x3FAE] =	sst s0  }
0x9: {  	[smem:$0x3FAF] =	sst s1  }
0xa: {  	[smem:$0x3FB0] =	sst s2  }
0xb: {  	[smem:$0x3FB1] =	sst s3  }
0xc: {  	[smem:$0x3FB2] =	sst s4  }
0xd: {  	[smem:$0x3FB3] =	sst s5  }
0xe: {  	[smem:$0x3FB4] =	sst s6  }
0xf: {  	[smem:$0x3FB5] =	sst s7  }
0x10: {  	[smem:$0x3FB6] =	sst s8  }
0x11: {  	[smem:$0x3FB7] =	sst s9;
	s0 =	simm.s32 @!p0 $0x0  }
0x12: {  	s1 =	sld [smem:$0x3F9D];
	s0 =	simm.s32 @p0 $0x1  }
0x13: {  	[smem:$0x3FB8] =	sst s0;
	s0 =	simm.s32 @!p1 $0x0  }
0x14: {  	s2 =	sld [smem:$0x3F9C];
	s0 =	simm.s32 @p1 $0x1  }
0x15: {  	[smem:$0x3FB9] =	sst s0;
	s0 =	simm.s32 @!p2 $0x0  }
0x16: {  	s3 =	sld [smem:$0x3FDB];
	s0 =	simm.s32 @p2 $0x1  }
0x17: {  	s4 =	simm.s32 $0x1BF5;
	[smem:$0x3FBB] =	sst s0  }
0x18: {  	s0 =	sld [smem:$0x3F9E];
	_ =	swait.ge [sflag:s4], $0x0  }
0x19: {  	s7 =	sld [smem:$0x3F9F]  }
0x1a: {  	s8 =	sadd.s32 $0xFFFFE003, lr  }
0x1b: {  	s9 =	sadd.s32 $0xFFFFFEF7, lr;
	s5 =	simm.s32 $0xFFFFFFFF;
	p2 =	slt.u32 s8, $0xFFFFF086  }
0x1c: {  	p1 =	slt.u32 s9, $0xF7A;
	s5 =	simm.s32 @!p2 $0x0  }
0x1d: {  	s5 =	simm.s32 @p1 $0x1;
	p0 =	seq.s32 s7, s2  }
0x1e: {  	s7 =	smul.u32 @!p0 $0xF7A, s2;
	p2 =	seq.s32 @!p0 s5, $0x0  }
0x1f: {  	s9 =	smul.u32 $0xF7A, s1;
	s8 =	simm.s32 @!p0 $0x1BF5;
	p2 =	por !p2, p0  }
0x20: {  	[sflag:s8] =	ssyncset.s32 @!p0 $0xFFFFF086;
	s6 =	sadd.s32 @!p0 s3, s7;
	s7 =	simm.s32 @!p0 $0x108  }
0x21: {  	s3 =	sadd.s32 s3, s9;
	s6 =	sadd.s32 @!p0 $0x88, s6;
	s7 =	simm.s32 @p2 $0x1082  }
0x22: {  	[simem:s7], [sflag:s8] =	dma.local @!p0 [hbm:s6], $0xF7A  }
0x23: {  	s9 =	sor.u32 $0xD0000000, s2;
	s6 =	simm.s32 $0x108;
	_ =	swait.ge @!p0 [sflag:s8], $0x0  }
0x24: {  	s3 =	sadd.s32 $0x88, s3;
	s6 =	simm.s32 @!p1 $0x1082;
	[sflag:s4] =	ssyncset.s32 $0xFFFFF086  }
0x25: {  	[simem:s6], [sflag:s4] =	dma.local [hbm:s3], $0xF7A  }
0x26: {  	[smem:$0x3F9F] =	sst s1;
	(tag) =	ssettag s2;
	_ =	strace s9  }
0x27: {  	s1 =	sld [smem:$0x3FAF]  }
0x28: {  	s2 =	sld [smem:$0x3FB0]  }
0x29: {  	s4 =	sld [smem:$0x3FB2]  }
0x2a: {  	p0 =	seq.s32 s5, $0x0;
	s5 =	sld [smem:$0x3FB3]  }
0x2b: {  	s6 =	sld [smem:$0x3FB4]  }
0x2c: {  	s7 =	sld [smem:$0x3FB5]  }
0x2d: {  	s3 =	simm.s32 $0x108;
	s8 =	sld [smem:$0x3FB6]  }
0x2e: {  	s3 =	simm.s32 @!p0 $0x1082;
	s9 =	sld [smem:$0x3FB7]  }
0x2f: {  	lr =	sadd.s32 s0, s3;
	s0 =	sld [smem:$0x3FAE]  }
0x30: {  	s3 =	sld [smem:$0x3FB1]  }
0x31: {  	[smem:$0x3FBA] =	sst s10  }
0x32: {  	s10 =	sld [smem:$0x3FB8];
	_ =	sdelay $0x3  }
0x33: {  	p0 =	seq.s32 s10, $0x1;
	s10 =	sld [smem:$0x3FBA];
	_ =	sdelay $0x3  }
0x34: {  	[smem:$0x3FBA] =	sst s10  }
0x35: {  	s10 =	sld [smem:$0x3FB9];
	_ =	sdelay $0x3  }
0x36: {  	p1 =	seq.s32 s10, $0x1;
	s10 =	sld [smem:$0x3FBA];
	_ =	sdelay $0x3  }
0x37: {  	[smem:$0x3FBA] =	sst s10  }
0x38: {  	s10 =	sld [smem:$0x3FBB]  }
0x39: {  	_ = 	snop;
	(pc) =	sbr.ind lr, $3  }
0x3a: {  	_ = 	snop  }
0x3b: {  	_ = 	snop  }
0x3c: {  	p2 =	seq.s32 s10, $0x1;
	s10 =	sld [smem:$0x3FBA]  }
0x3d: {  	_ =	shalt  }
0x3e: {  	_ =	shalt  }
0x3f: {  	_ =	shalt  }
0x40: {  	_ =	shalt  }
0x41: {  	_ =	shalt  }
0x42: {  	_ =	shalt  }
0x43: {  	_ =	shalt  }
0x44: {  	_ =	shalt  }
0x45: {  	_ =	shalt  }
0x46: {  	_ =	shalt  }
0x47: {  	_ =	shalt  }
0x48: {  	_ =	shalt  }
0x49: {  	_ =	shalt  }
0x4a: {  	_ =	shalt  }
0x4b: {  	_ =	shalt  }
0x4c: {  	_ =	shalt  }
0x4d: {  	_ =	shalt  }
0x4e: {  	_ =	shalt  }
0x4f: {  	_ =	shalt  }
0x50: {  	_ =	shalt  }
0x51: {  	_ =	shalt  }
0x52: {  	_ =	shalt  }
0x53: {  	_ =	shalt  }
0x54: {  	_ =	shalt  }
0x55: {  	_ =	shalt  }
0x56: {  	_ =	shalt  }
0x57: {  	_ =	shalt  }
0x58: {  	_ =	shalt  }
0x59: {  	_ =	shalt  }
0x5a: {  	_ =	shalt  }
0x5b: {  	_ =	shalt  }
0x5c: {  	_ =	shalt  }
0x5d: {  	_ =	shalt  }
0x5e: {  	_ =	shalt  }
0x5f: {  	_ =	shalt  }
0x60: {  	_ =	shalt  }
0x61: {  	_ =	shalt  }
0x62: {  	_ =	shalt  }
0x63: {  	_ =	shalt  }
0x64: {  	_ =	shalt  }
0x65: {  	_ =	shalt  }
0x66: {  	_ =	shalt  }
0x67: {  	_ =	shalt  }
0x68: {  	_ =	shalt  }
0x69: {  	_ =	shalt  }
0x6a: {  	_ =	shalt  }
0x6b: {  	_ =	shalt  }
0x6c: {  	_ =	shalt  }
0x6d: {  	_ =	shalt  }
0x6e: {  	_ =	shalt  }
0x6f: {  	_ =	shalt  }
0x70: {  	_ =	shalt  }
0x71: {  	_ =	shalt  }
0x72: {  	_ =	shalt  }
0x73: {  	_ =	shalt  }
0x74: {  	_ =	shalt  }
0x75: {  	_ =	shalt  }
0x76: {  	_ =	shalt  }
0x77: {  	_ =	shalt  }
0x78: {  	_ =	shalt  }
0x79: {  	_ =	shalt  }
0x7a: {  	_ =	shalt  }
0x7b: {  	_ =	shalt  }
0x7c: {  	_ =	shalt  }
0x7d: {  	_ =	shalt  }
0x7e: {  	_ =	shalt  }
0x7f: {  	_ =	shalt  }
0x80: {  	_ =	shalt  }
0x81: {  	_ =	shalt  }
0x82: {  	_ =	shalt  }
0x83: {  	_ =	shalt  }
0x84: {  	_ =	shalt  }
0x85: {  	_ =	shalt  }
0x86: {  	_ =	shalt  }
0x87: {  	_ =	shalt  }
.Lfunc_end0:
.L_simem_size_0:
called_computation_lowered:
.L_overlay_start_0:
0x88: {  	s0 =	sld [smem:$0x3FD9]  }
0x89: {  	s1 =	sld [smem:$0x3FFE];
	_ =	sdelay $0x3  }
0x8a: {  	s0 =	sadd.s32 s1, s0  }
0x8b: {  	[smem:$0x3FC6] =	sst s0  }
0x8c: {  	_ = 	snop  }
0x8d: {  	s0 =	sld [smem:$0x3FD0];
	_ =	sdelay $0x1  }
0x8e: {  	s14 =	sld [smem:$0x3FC9]  }
0x8f: {  	s3 =	simm.s32 $0xA;
	s4 =	simm.s32 $0x10;
	s2 =	sld [smem:$0x3FC8]  }
0x90: {  	[smem:s4], [sflag:s3] =	dma.local [hbm:s0], $0x1  }
0x91: {  	_ =	swait.eq [sflag:s3], $0x1  }
0x92: {  	s15 =	sld [smem:$0x10]  }
0x93: {  	s16 =	sld [smem:$0x11]  }
0x94: {  	s5 =	sld [smem:$0x12];
	[sflag:s3] =	ssyncset.done $0x0  }
0x95: {  	s6 =	sld [smem:$0x13];
	[sflag:s3] =	ssyncadd.s32 $0xFFFFFFFF  }
0x96: {  	s17 =	sld [smem:$0x14];
	(tm) =	ssettm $0x1  }
0x97: {  	s7 =	sld [smem:$0x3FFB];
	_ =	sdelay $0x3  }
0x98: {  	_ =	strace s7  }
0x99: {  	s7 =	sld [smem:$0x3FFC];
	_ =	sdelay $0x3  }
0x9a: {  	_ =	strace s7  }
0x9b: {  	s7 =	sld [smem:$0x3FFD];
	_ =	sdelay $0x3  }
0x9c: {  	_ =	strace s7  }
0x9d: {  	_ =	strace $0x8FFFFFFF  }
0x9e: {  	s18 =	sld [smem:$0x3FDB];
	_ =	sdelay $0x1  }
0x9f: {  	s8 =	simm.s32 $_scs_section_size  }
0xa0: {  	s9 =	simm.s32 $_size__tile_overlayer_lowered;
	s10 =	simm.s32 $_tile_overlayer_lowered  }
0xa1: {  	s21 =	simm.s32 $0x1BFF;
	s20 =	sshll.u32 s10, $0x1;
	s7 =	sadd.s32 s8, s18  }
0xa2: {  	s11 =	simm.s32 $0x0;
	s19 =	sshll.u32 s9, $0x1;
	s9 =	sadd.s32 s20, s7  }
0xa3: {  	[timem:s11], [sflag:s21] =	dma.local [hbm:s9], s19  }
0xa4: {  	_ =	swait.ge [sflag:s21], s19  }
0xa5: {  	s8 =	ssub.s32 $0x0, s19;
	[sflag:s21] =	ssyncset.done $0x0  }
0xa6: {  	[sflag:s21] =	ssyncadd.s32 s8;
	_ =	sdelay $0x1  }
0xa7: {  	s22 =	simm.s32 $0x1B8B  }
0xa8: {  	_ =	swait.ge [sflag:s22], $0x1  }
0xa9: {  	[sflag:s22] =	ssyncset.done $0x0  }
0xaa: {  	s23 =	simm.s32 $0x1B8E;
	[sflag:s22] =	ssyncadd.s32 $0xFFFFFFFF  }
0xab: {  	s24 =	simm.s32 $execute0_lowered;
	[smem:$0x3FD2] =	sst s23  }
0xac: {  	s8 =	sshll.u32 s24, $0x1;
	_ =	strace $0x80000046;
	[dreg:$0x1] =	wrdreg $0xFFFFFFFF  }
0xad: {  	s25 =	simm.s32 $_size_execute0_lowered;
	s7 =	sadd.s32 s7, s8;
	[dreg:$0x0] =	wrdreg $0x0  }
0xae: {  	s8 =	sshll.u32 s25, $0x1;
	[dreg:$0x2] =	wrdreg s7  }
0xaf: {  	[dreg:$0x3] =	wrdreg s8  }
0xb0: {  	[dreg:$0x4] =	wrdreg $0xC0  }
0xb1: {  	_ =	task [dreg:s11], $0x5FFFF  }
0xb2: {  	[dreg:$0x1] =	wrdreg $0xFFFFFFFF  }
0xb3: {  	[dreg:$0x0] =	wrdreg $0x60  }
0xb4: {  	[dreg:$0x2] =	wrdreg s14  }
0xb5: {  	[dreg:$0x3] =	wrdreg s2  }
0xb6: {  	[dreg:$0x4] =	wrdreg s15  }
0xb7: {  	[dreg:$0x5] =	wrdreg s16  }
0xb8: {  	[dreg:$0x6] =	wrdreg s5  }
0xb9: {  	[dreg:$0x7] =	wrdreg s6  }
0xba: {  	[dreg:$0x8] =	wrdreg s17  }
0xbb: {  	[dreg:$0x9] =	wrdreg $0x9  }
0xbc: {  	_ =	task.clear_ibuf [dreg:s11], $0xAFFFF;
	_ =	strace $0x90000046  }
0xbd: {  	s26 =	simm.s32 $0x9;
	_ =	strace $0x80000048  }
0xbe: {  	_ =	swait.ge [sflag:s26], $0x1  }
0xbf: {  	[sflag:s26] =	ssyncadd.s32 $0xFFFFFFFF  }
0xc0: {  	_ =	strace $0x90000048  }
0xc1: {  	_ =	sfence  }
0xc2: {  	s28 =	sld [smem:$0x0];
	_ =	sdelay $0x1  }
0xc3: {  	s29 =	srdreg.scid  }
0xc4: {  	s30 =	sshll.u32 s29, $0xD;
	s31 =	sshrl.u32 s29, $0x2  }
0xc5: {  	s1 =	sand.u32 $0x1, s29;
	s2 =	sand.u32 $0x4000, s30;
	s0 =	sadd.s32 s31, s28  }
0xc6: {  	s1 =	sor.u32 s2, s1;
	s0 =	sshll.u32 s0, $0x11  }
0xc7: {  	s0 =	sor.u32 s0, s1  }
0xc8: {  	s0 =	sadd.s32 $0x8F2B, s0  }
0xc9: {  	[sflag:s0] =	ssyncadd.remote.s32 $0x1  }
0xca: {  	_ =	sfence.sel $0xFFFF  }
0xcb: {  	[dreg:$0x0] =	wrdreg $0xFFFFFFFF;
	(pc) =	sbr.abs _section_cstart, $3  }
0xcc: {  	[dreg:$0x1] =	wrdreg $0xFFFFFFFF  }
0xcd: {  	_ =	task.clear_ibuf [dreg:s11], $0x2FFFF;
	_ =	strace $0x9FFFFFFF  }
0xce: {  	(tm) =	ssettm $0x7FFFFFFF  }
0xcf: {  	_ =	shalt  }
tec
execute0_lowered:
.L_overlay_start_1:
0x0: {  	(tag) =	ssettag $0x1  }
0x1: {  	s6 =	rddreg [dreg:$0x0]  }
0x2: {  	s3 =	rddreg [dreg:$0x1]  }
0x3: {  	s1 =	rddreg [dreg:$0x2]  }
0x4: {  	s4 =	rddreg [dreg:$0x3]  }
0x5: {  	s2 =	rddreg [dreg:$0x4]  }
0x6: {  	s5 =	rddreg [dreg:$0x5]  }
0x7: {  	s7 =	rddreg [dreg:$0x6]  }
0x8: {  	s0 =	rddreg [dreg:$0x7];
	s9 =	simm.s32 $0x0;
	s8 =	stileid.u32  }
0x9: {  	[smem:$0x7FF] =	sst s9;
	p0 =	seq.s32 s8, $0xF  }
0xa: {  	_ =	strace $0x80000047;
	s9 =	sadd.s32 @p0 $0x2DD2, s6;
	s10 =	simm.s32 @p0 $0x0  }
0xb: {  	[tilespmem:s10], [sflag:$0x3] =	stream.linear.gather @p0 [hbm4b:s9+s10], $0x1810, $0x38;
	[tilespmem:$0x4380] =	vst v63  }
0xc: {  	s9 =	smul.u32 $0x1870, s8;
	s10 =	simm.s32 @p0 $0x3  }
0xd: {  	_ =	swait.ge @p0 [sflag:s10], $0x1810  }
0xe: {  	[sflag:s10] =	ssyncset.done @p0 $0x0;
	s11 =	sshrl.u32 @!p0 s9, $0x3  }
0xf: {  	v0 =	vimm.f32 $1.500000000e+01;
	vm0 =	vcmask $0x300;
	[sflag:s10] =	ssyncadd.s32 @p0 $0xFFFFE7F0;
	s6 =	sadd.s32 @!p0 s6, s11;
	s10 =	simm.s32 @!p0 $0x0  }
0x10: {  	v0 =	vsel vm0, $0x0, v0;
	vm0 =	vcmask $0x704;
	[tilespmem:s10], [sflag:$0x3] =	stream.linear.gather @!p0 [hbm4b:s6+s10], $0x1870, $0x38;
	[tilespmem:$0x4380] =	vst v63  }
0x11: {  	v0 =	vsel vm0, $0x3F800000, v0;
	vm0 =	vcmask $0xB08;
	s6 =	simm.s32 @!p0 $0x3  }
0x12: {  	v0 =	vsel vm0, $0x40000000, v0;
	vm0 =	vcmask $0xF0C;
	_ =	swait.ge @!p0 [sflag:s6], $0x1870  }
0x13: {  	v0 =	vsel vm0, $0x40400000, v0;
	vm0 =	vcmask $0x1310;
	[sflag:s6] =	ssyncset.done @!p0 $0x0  }
0x14: {  	v0 =	vsel vm0, $0x40800000, v0;
	vm0 =	vcmask $0x1714;
	[sflag:s6] =	ssyncadd.s32 @!p0 $0xFFFFE790  }
0x15: {  	v0 =	vsel vm0, $0x40A00000, v0;
	vm0 =	vcmask $0x1B18;
	v1 =	vld [tilespmem:$0x0]  }
0x16: {  	s29 =	simm.s32 $0x60;
	v0 =	vsel vm0, $0x40C00000, v0;
	vm0 =	vcmask $0x1F1C;
	v4 =	vld [tilespmem:$0x10]  }
0x17: {  	v0 =	vsel vm0, $0x40E00000, v0;
	vm0 =	vcmask $0x2320;
	v2 =	vld [tilespmem:s29+$0xFFFFFFE0]  }
0x18: {  	v0 =	vsel vm0, $0x41000000, v0;
	vm0 =	vcmask $0x2724;
	v9 =	vld [tilespmem:$0x20]  }
0x19: {  	v0 =	vsel vm0, $0x41100000, v0;
	vm0 =	vcmask $0x2B28;
	v5 =	vld [tilespmem:s29+$0xFFFFFFF0]  }
0x1a: {  	v0 =	vsel vm0, $0x41200000, v0;
	vm0 =	vcmask $0x2F2C;
	v12 =	vld [tilespmem:s29+$0x0]  }
0x1b: {  	v18 =	vld [tilespmem:$0x30];
	v0 =	vsel vm0, $0x41300000, v0;
	vm0 =	vcmask $0x3330  }
0x1c: {  	v6 =	vimm.f32 $0.0e+00;
	v19 =	vld [tilespmem:s29+$0x10];
	v0 =	vsel vm0, $0x41400000, v0;
	vm0 =	vcmask $0x3734  }
0x1d: {  	v8 =	vimm.f32 $1.000000000e+00;
	s9 =	scvt.s32.f32 s9;
	v3 =	vld [tilespmem:s29+$0x20];
	v0 =	vsel vm0, $0x41500000, v0;
	vm0 =	vcmask $0x3B38  }
0x1e: {  	v10 =	vimm.f32 $2.000000000e+00;
	v13 =	vimm.f32 $3.000000000e+00;
	v0 =	vsel vm0, $0x41600000, v0  }
0x1f: {  	s30 =	simm.s32 $0x4;
	v0 =	vadd.f32 s9, v0;
	vm0 =	vgt.f32 v2, v1;
	vm1 =	vlt.f32 v2, v1  }
0x20: {  	s11 =	scvt.s32.f32 s30;
	vm3 =	vgt.f32 v5, v4;
	vm2 =	vgt.f32 v12, v9;
	vm7 =	vlt.f32 v12, v9  }
0x21: {  	v14 =	vld [tilespmem:s29+$0x30];
	vm8 =	vgt.f32 v19, v18;
	vm9 =	vlt.f32 v19, v18;
	v15 =	vsel vm0, v2, v1  }
0x22: {  	s12 =	simm.s32 @!p0 $0x30;
	s10 =	sadd.f32 $4.000000000e+00, s11;
	v7 =	vld [tilespmem:s29+$0x40];
	v1 =	vsel vm1, v2, v1;
	v11 =	vsel vm0, s11, v6;
	vm0 =	vgt.f32 v3, v15  }
0x23: {  	s12 =	simm.s32 @p0 $0x2F;
	v17 =	vld [tilespmem:s29+$0x50];
	v16 =	vsel vm1, s11, v6;
	vm1 =	vlt.f32 v3, v1;
	v2 =	vsel vm0, v3, v15  }
0x24: {  	s13 =	sshll.u32 s12, $0x3;
	s6 =	simm.s32 $0x181;
	v3 =	vsel vm1, v3, v1;
	v6 =	vsel vm1, s10, v16;
	vm1 =	vlt.f32 v5, v4  }
0x25: {  	s6 =	simm.s32 @!p0 $0x187;
	p0 =	sne.s32 s13, $0x8;
	v1 =	vsel vm3, v5, v4;
	v15 =	vsel vm2, v12, v9;
	v12 =	vsel vm7, v12, v9  }
.Ltmp0:
0x26: {  	v9 =	vsel vm8, v19, v18;
	v18 =	vsel vm9, v19, v18;
	v16 =	vimm.f32 $2.000000000e+00;
	(pc) =	sbr.rel @!p0 .LBB2_2-.Ltmp0, $4  }
0x27: {  	v4 =	vsel vm1, v5, v4;
	vm6 =	vgt.f32 v14, v1;
	vm5 =	vgt.f32 v7, v15  }
0x28: {  	s16 =	sadd.f32 $6.000000000e+00, s11;
	vm10 =	vlt.f32 v7, v12;
	vm11 =	vgt.f32 v17, v9;
	vm12 =	vlt.f32 v17, v18  }
0x29: {  	s14 =	simm.s32 $0x8;
	s31 =	sshll.u32 s8, $0x6;
	s17 =	sadd.f32 $2.000000000e+00, s11;
	vm4 =	vlt.f32 v14, v4;
	v5 =	vsel vm6, v14, v1;
	v1 =	vsel vm5, v7, v15  }
0x2a: {  	s15 =	simm.s32 $0xE0;
	s18 =	sadd.f32 $3.000000000e+00, s11;
	s9 =	sadd.s32 s7, s31;
	v15 =	vimm.f32 $1.000000000e+00;
	v4 =	vsel vm4, v14, v4;
	v14 =	vimm.f32 $3.000000000e+00  }
.LBB2_1:
0x2b: {  	v19 =	vld [tilespmem:s15+$0xFFFFFFE0];
	v12 =	vsel vm10, v7, v12;
	s19 =	sadd.f32 $7.000000000e+00, s11;
	v9 =	vsel vm11, v17, v9;
	v18 =	vsel vm12, v17, v18  }
0x2c: {  	s20 =	sadd.f32 $1.000000000e+00, s11;
	v7 =	vsel vm7, s17, v10;
	v13 =	vsel vm8, s18, v13;
	v14 =	vsel vm9, s18, v14  }
0x2d: {  	s18 =	sadd.f32 $5.000000000e+00, s11;
	v10 =	vsel vm10, s16, v7;
	v17 =	vld [tilespmem:s15+$0x20];
	v13 =	vsel vm11, s19, v13;
	v14 =	vsel vm12, s19, v14  }
0x2e: {  	v16 =	vsel vm2, s17, v16;
	s11 =	sadd.s32 $0x4, s14;
	v7 =	vsel vm3, s20, v8;
	v15 =	vsel vm1, s20, v15;
	v20 =	vld [tilespmem:s15+$0xFFFFFFF0]  }
0x2f: {  	v16 =	vsel vm5, s16, v16;
	s11 =	scvt.s32.f32 s11;
	v8 =	vsel vm6, s18, v7;
	v15 =	vsel vm4, s18, v15;
	v21 =	vld [tilespmem:s15+$0x0]  }
0x30: {  	v11 =	vsel vm0, s10, v11;
	vm1 =	vgt.f32 v19, v2;
	vm2 =	vlt.f32 v19, v3;
	v22 =	vld [tilespmem:s15+$0x30]  }
0x31: {  	s10 =	sadd.f32 $4.000000000e+00, s11;
	v2 =	vsel vm1, v19, v2;
	v3 =	vsel vm2, v19, v3;
	v6 =	vsel vm2, s11, v6;
	v7 =	vld [tilespmem:s15+$0x40]  }
0x32: {  	v11 =	vsel vm1, s11, v11;
	vm0 =	vgt.f32 v17, v2;
	vm1 =	vlt.f32 v17, v3  }
0x33: {  	s14 =	sadd.s32 $0x8, s14;
	v19 =	vld [tilespmem:s15+$0x10];
	v2 =	vsel vm0, v17, v2;
	v3 =	vsel vm1, v17, v3;
	v6 =	vsel vm1, s10, v6  }
0x34: {  	p0 =	sne.s32 s13, s14;
	vm3 =	vgt.f32 v20, v5;
	vm1 =	vlt.f32 v20, v4;
	vm2 =	vgt.f32 v21, v1  }
0x35: {  	v5 =	vsel vm3, v20, v5;
	v4 =	vsel vm1, v20, v4;
	v1 =	vsel vm2, v21, v1;
	v17 =	vld [tilespmem:s15+$0x50]  }
.Ltmp1:
0x36: {  	vm6 =	vgt.f32 v22, v5;
	vm4 =	vlt.f32 v22, v4;
	vm5 =	vgt.f32 v7, v1;
	(pc) =	sbr.rel @p0 .LBB2_1-.Ltmp1, $4  }
0x37: {  	v5 =	vsel vm6, v22, v5;
	v4 =	vsel vm4, v22, v4;
	v1 =	vsel vm5, v7, v1  }
0x38: {  	s16 =	sadd.f32 $6.000000000e+00, s11;
	vm7 =	vlt.f32 v21, v12;
	vm8 =	vgt.f32 v19, v9;
	vm9 =	vlt.f32 v19, v18  }
0x39: {  	s17 =	sadd.f32 $2.000000000e+00, s11;
	v12 =	vsel vm7, v21, v12;
	v9 =	vsel vm8, v19, v9;
	v18 =	vsel vm9, v19, v18  }
0x3a: {  	s18 =	sadd.f32 $3.000000000e+00, s11;
	s15 =	sadd.s32 $0x80, s15;
	vm10 =	vlt.f32 v7, v12;
	vm11 =	vgt.f32 v17, v9;
	vm12 =	vlt.f32 v17, v18  }
.LBB2_2:
0x3b: {  	v12 =	vsel vm10, v7, v12;
	s14 =	sadd.f32 $7.000000000e+00, s11;
	v9 =	vsel vm11, v17, v9;
	v7 =	vsel vm12, v17, v18  }
0x3c: {  	v10 =	vsel vm7, s17, v10;
	v13 =	vsel vm8, s18, v13;
	v17 =	vsel vm9, s18, v14  }
0x3d: {  	v14 =	vsel vm10, s16, v10;
	v13 =	vsel vm11, s14, v13;
	v10 =	vsel vm12, s14, v17;
	s14 =	sor.u32 $0x4, s13  }
0x3e: {  	p0 =	sge.u32 s14, s6  }
.Ltmp2:
0x3f: {  	_ = 	snop;
	(pc) =	sbr.rel @p0 .LBB2_9-.Ltmp2, $4  }
0x40: {  	s15 =	sadd.f32 $1.000000000e+00, s11  }
0x41: {  	s31 =	sadd.f32 $5.000000000e+00, s11;
	v11 =	vsel vm0, s10, v11  }
0x42: {  	v8 =	vsel vm3, s15, v8;
	v15 =	vsel vm1, s15, v15;
	v17 =	vsel vm2, s17, v16  }
0x43: {  	v16 =	vsel vm6, s31, v8;
	v15 =	vsel vm4, s31, v15;
	v8 =	vsel vm5, s16, v17  }
0x44: {  	s13 =	sadd.s32 $0x1, s14  }
0x45: {  	p1 =	sne.s32 s6, s13  }
.Ltmp3:
0x46: {  	_ = 	snop;
	(pc) =	sbr.rel @!p1 .LBB2_4-.Ltmp3, $3  }
0x47: {  	_ =	sdelay $0x1  }
0x48: {  	s10 =	sshll.u32 s12, $0x7  }
0x49: {  	p0 =	por $0x0, $0x0;
	s10 =	sor.u32 $0x40, s10  }
0x4a: {  	s12 =	sadd.s32 $0x1, s13  }
0x4b: {  	v17 =	vld [tilespmem:s10+$0x0];
	p1 =	sne.s32 s6, s12  }
.Ltmp4:
0x4c: {  	_ = 	snop;
	(pc) =	sbr.rel @!p1 .LBB2_10-.Ltmp4, $3  }
0x4d: {  	_ =	sdelay $0x1  }
0x4e: {  	v18 =	vmov v2  }
0x4f: {  	s11 =	scvt.s32.f32 s14;
	s10 =	sadd.s32 $0x10, s10;
	p0 =	por $0x1, $0x1;
	v19 =	vmovc v11;
	v21 =	vmovc v3;
	v20 =	vmov v6;
	vm1 =	vgt.f32 v17, v2;
	vm0 =	vlt.f32 v17, v3  }
.LBB2_6:
0x50: {  	s14 =	smov.u32 s12;
	s12 =	sadd.s32 $0x1, s12  }
0x51: {  	v18 =	vsel vm1, v17, v18;
	v19 =	vsel vm1, s11, v19;
	v21 =	vsel vm0, v17, v21;
	v17 =	vld [tilespmem:s10+$0x0];
	p1 =	sne.s32 s6, s12  }
.Ltmp5:
0x52: {  	v20 =	vsel vm0, s11, v20;
	(pc) =	sbr.rel @p1 .LBB2_6-.Ltmp5, $3  }
0x53: {  	_ =	sdelay $0x1  }
0x54: {  	s11 =	scvt.s32.f32 s13;
	s13 =	smov.u32 s14  }
0x55: {  	s10 =	sadd.s32 $0x10, s10;
	vm1 =	vgt.f32 v17, v18;
	vm0 =	vlt.f32 v17, v21  }
0x56: {  	s14 =	smov.u32 s13  }
.LBB2_8:
0x57: {  	v22 =	vld [tilespmem:s10+$0x0];
	_ =	sdelay $0x2  }
0x58: {  	v18 =	vsel @p0 vm1, v17, v18;
	v17 =	vsel @p0 vm0, v17, v21  }
0x59: {  	v19 =	vsel @p0 vm1, s11, v19;
	v2 =	vpsel p0, v18, v2;
	v3 =	vpsel p0, v17, v3  }
0x5a: {  	s6 =	scvt.s32.f32 s14;
	v17 =	vsel @p0 vm0, s11, v20;
	v11 =	vpsel p0, v19, v11;
	vm14 =	vgt.f32 v22, v2  }
0x5b: {  	v6 =	vpsel p0, v17, v6;
	vm15 =	vlt.f32 v22, v3;
	v2 =	vsel vm14, v22, v2  }
0x5c: {  	v11 =	vsel vm14, s6, v11;
	v3 =	vsel vm15, v22, v3;
	v6 =	vsel vm15, s6, v6  }
.LBB2_9:
0x5d: {  	v11 =	vmul.f32 $1.600000000e+01, v11  }
0x5e: {  	v16 =	vmul.f32 $1.600000000e+01, v16;
	v6 =	vmul.f32 $1.600000000e+01, v6  }
0x5f: {  	v15 =	vmul.f32 $1.600000000e+01, v15;
	vm0 =	veq.f32 v5, v2;
	vm2 =	vgt.f32 v5, v2  }
0x60: {  	vm10 =	veq.f32 v4, v3;
	v8 =	vmul.f32 $1.600000000e+01, v8;
	vm11 =	vlt.f32 v4, v3  }
0x61: {  	v14 =	vmul.f32 $1.600000000e+01, v14;
	v11 =	vadd.f32 v11, v0;
	v16 =	vadd.f32 v16, v0  }
0x62: {  	v59 =	vmul.f32 $1.600000000e+01, v13;
	v6 =	vadd.f32 v6, v0;
	v15 =	vadd.f32 v15, v0  }
0x63: {  	v10 =	vmul.f32 $1.600000000e+01, v10;
	v8 =	vadd.f32 v8, v0;
	vm1 =	vlt.f32 v16, v11  }
0x64: {  	v58 =	vadd.f32 v14, v0;
	vm3 =	vlt.f32 v15, v6;
	vm0 =	vmand vm0, vm1  }
0x65: {  	v62 =	vadd.f32 v10, v0;
	vm1 =	vmand vm10, vm3;
	vm0 =	vmor vm2, vm0  }
0x66: {  	vm1 =	vmor vm11, vm1;
	v55 =	vsel vm0, v5, v2;
	v56 =	vsel vm0, v16, v11  }
0x67: {  	v57 =	vsel vm1, v4, v3;
	v6 =	vsel vm1, v15, v6;
	v11 =	vadd.f32 v59, v0  }
0x68: {  	vm12 =	veq.f32 v1, v55;
	vm13 =	vlt.f32 v8, v56;
	vm14 =	vgt.f32 v1, v55  }
0x69: {  	vm15 =	veq.f32 v12, v57;
	vm6 =	vlt.f32 v58, v6;
	vm0 =	vmand vm12, vm13  }
0x6a: {  	vm8 =	vlt.f32 v12, v57;
	vm7 =	vmand vm15, vm6;
	vm0 =	vmor vm14, vm0  }
0x6b: {  	vm1 =	vmor vm8, vm7;
	v60 =	vsel vm0, v1, v55;
	v61 =	vsel vm0, v8, v56  }
0x6c: {  	v3 =	vsel vm1, v12, v57;
	vm9 =	veq.f32 v9, v60;
	vm10 =	vlt.f32 v11, v61  }
0x6d: {  	v4 =	vsel vm1, v58, v6;
	vm11 =	vgt.f32 v9, v60;
	vm0 =	vmand vm9, vm10  }
0x6e: {  	vm12 =	veq.f32 v7, v3;
	vm13 =	vlt.f32 v62, v4;
	vm0 =	vmor vm11, vm0  }
0x6f: {  	vm14 =	vlt.f32 v7, v3;
	vm1 =	vmand vm12, vm13;
	v1 =	vsel vm0, v9, v60  }
0x70: {  	vm15 =	vmor vm14, vm1;
	v2 =	vsel vm0, v11, v61;
	[tilespmem:$0x1880] =	vst v1  }
0x71: {  	v63 =	vsel vm15, v7, v3;
	[tilespmem:$0x1900] =	vst v2  }
0x72: {  	v0 =	vsel vm15, v62, v4;
	[tilespmem:$0x1980] =	vst v63  }
0x73: {  	s6 =	simm.s32 $0x0;
	s10 =	simm.s32 $0x1880;
	[tilespmem:$0x1A00] =	vst v0  }
0x74: {  	[hbm4b:s9+s6] =	stream.linear.scatter [tilespmem:s10], [sflag:$0x3], $0x200, $0x38;
	[tilespmem:$0x4380] =	vst v63  }
0x75: {  	s9 =	simm.s32 $0x3  }
0x76: {  	_ =	swait.ge [sflag:s9], $0x200  }
0x77: {  	[sflag:s9] =	ssyncset.done $0x0  }
0x78: {  	[sflag:s9] =	ssyncadd.s32 $0xFFFFFE00  }
0x79: {  	p0 =	sne.s32 s8, $0x0;
	[bflag:$0x0] =	sbarrier.arrive $0xFFFF  }
0x7a: {  	_ =	sfence.sel @p0 $0x180000  }
0x7b: {  	[bflag:$0x0] =	sbarrier.arrive @p0 $0xFFFF  }
0x7c: {  	_ =	strace @p0 $0x90000047  }
0x7d: {  	[bflag:$0x2] =	sbarrier.arrive @p0 $0xFFFF  }
0x7e: {  	_ =	shalt @p0  }
.Ltmp6:
0x7f: {  	_ = 	snop;
	(pc) =	sbr.rel .LBB2_11-.Ltmp6, $4  }
0x80: {  	_ = 	snop  }
0x81: {  	_ = 	snop  }
0x82: {  	_ = 	snop  }
0x83: {  	_ = 	snop  }
.LBB2_11:
0x84: {  	s8 =	simm.s32 $0x1A80  }
0x85: {  	[tilespmem:s8], [sflag:$0x3] =	stream.linear.gather [hbm4b:s7+s6], $0x2000, $0x38;
	[tilespmem:$0x4380] =	vst v63  }
0x86: {  	_ =	swait.ge [sflag:s9], $0x2000  }
0x87: {  	[sflag:s9] =	ssyncset.done $0x0  }
0x88: {  	[sflag:s9] =	ssyncadd.s32 $0xFFFFE000  }
0x89: {  	v0 =	vld [tilespmem:$0x1A80]  }
0x8a: {  	v1 =	vld [tilespmem:$0x1B00]  }
0x8b: {  	v2 =	vld [tilespmem:$0x1B80]  }
0x8c: {  	v3 =	vld [tilespmem:$0x1C00]  }
0x8d: {  	v4 =	vld [tilespmem:$0x1C80]  }
0x8e: {  	v5 =	vld [tilespmem:$0x1D00]  }
0x8f: {  	v6 =	vld [tilespmem:$0x1D80]  }
0x90: {  	v7 =	vld [tilespmem:$0x1E00];
	_ =	sdelay $0x1  }
0x91: {  	v8 =	vld [tilespmem:$0x1E80]  }
0x92: {  	v9 =	vld [tilespmem:$0x1F00]  }
0x93: {  	v10 =	vld [tilespmem:$0x1F80];
	vm0 =	vgt.f32 v4, v0;
	vm1 =	veq.f32 v4, v0  }
0x94: {  	v11 =	vld [tilespmem:$0x2000];
	vm2 =	vlt.f32 v5, v1;
	vm7 =	veq.f32 v6, v2;
	vm3 =	vlt.f32 v7, v3  }
0x95: {  	vm8 =	vlt.f32 v6, v2;
	vm1 =	vmand vm1, vm2;
	vm2 =	vmand vm7, vm3  }
0x96: {  	v38 =	vld [tilespmem:$0x2080];
	vm0 =	vmor vm0, vm1;
	vm1 =	vmor vm8, vm2  }
0x97: {  	v39 =	vld [tilespmem:$0x2100];
	v0 =	vsel vm0, v4, v0;
	v1 =	vsel vm0, v5, v1;
	v2 =	vsel vm1, v6, v2  }
0x98: {  	v40 =	vld [tilespmem:$0x2180];
	v3 =	vsel vm1, v7, v3;
	vm9 =	vgt.f32 v8, v0;
	vm10 =	veq.f32 v8, v0  }
0x99: {  	v41 =	vld [tilespmem:$0x2200];
	vm11 =	vlt.f32 v9, v1;
	vm12 =	veq.f32 v10, v2;
	vm13 =	vlt.f32 v11, v3  }
0x9a: {  	vm14 =	vlt.f32 v10, v2;
	vm1 =	vmand vm10, vm11;
	vm2 =	vmand vm12, vm13  }
0x9b: {  	vm0 =	vmor vm9, vm1;
	vm1 =	vmor vm14, vm2  }
0x9c: {  	v0 =	vsel vm0, v8, v0;
	v1 =	vsel vm0, v9, v1;
	v2 =	vsel vm1, v10, v2  }
0x9d: {  	v42 =	vld [tilespmem:$0x2280];
	v3 =	vsel vm1, v11, v3;
	vm15 =	vgt.f32 v38, v0;
	vm4 =	veq.f32 v38, v0  }
0x9e: {  	v43 =	vld [tilespmem:$0x2300];
	vm5 =	vlt.f32 v39, v1;
	vm6 =	veq.f32 v40, v2;
	vm7 =	vlt.f32 v41, v3  }
0x9f: {  	v44 =	vld [tilespmem:$0x2380];
	vm8 =	vlt.f32 v40, v2;
	vm1 =	vmand vm4, vm5;
	vm2 =	vmand vm6, vm7  }
0xa0: {  	v45 =	vld [tilespmem:$0x2400];
	vm0 =	vmor vm15, vm1;
	vm1 =	vmor vm8, vm2  }
0xa1: {  	v0 =	vsel vm0, v38, v0;
	v1 =	vsel vm0, v39, v1;
	v2 =	vsel vm1, v40, v2  }
0xa2: {  	v3 =	vsel vm1, v41, v3;
	v38 =	vimm.s32 $0xFEDCBA98;
	v39 =	vimm.s32 $0x76543210  }
0xa3: {  	v46 =	vld [tilespmem:$0x2480];
	v40 =	vimm.s32 $0x3210FEDC;
	v41 =	vimm.s32 $0xBA987654;
	vm9 =	vgt.f32 v42, v0  }
0xa4: {  	v47 =	vld [tilespmem:$0x2500];
	vm10 =	veq.f32 v42, v0;
	vm11 =	vlt.f32 v43, v1;
	vm12 =	veq.f32 v44, v2  }
0xa5: {  	v48 =	vld [tilespmem:$0x2580];
	vm13 =	vlt.f32 v45, v3;
	vm14 =	vlt.f32 v44, v2;
	v8 =	vunpack.c.l.s4.s8 v38  }
0xa6: {  	v49 =	vld [tilespmem:$0x2600];
	v9 =	vunpack.c.l.s4.s8 v39;
	vm1 =	vmand vm10, vm11;
	vm2 =	vmand vm12, vm13  }
0xa7: {  	v6 =	vunpack.c.l.s4.s8 v40;
	vm0 =	vmor vm9, vm1;
	vm1 =	vmor vm14, vm2  }
0xa8: {  	v50 =	vld [tilespmem:$0x2680];
	v8 =	vunpack.c.0.s8.s32 v8;
	v9 =	vunpack.c.0.s8.s32 v9;
	v0 =	vsel vm0, v42, v0  }
0xa9: {  	v51 =	vld [tilespmem:$0x2700];
	v1 =	vsel vm0, v43, v1;
	v2 =	vsel vm1, v44, v2;
	v3 =	vsel vm1, v45, v3  }
0xaa: {  	v52 =	vld [tilespmem:$0x2780];
	vm15 =	vgt.f32 v46, v0;
	vm4 =	veq.f32 v46, v0;
	vm5 =	vlt.f32 v47, v1  }
0xab: {  	v53 =	vld [tilespmem:$0x2800];
	vm6 =	veq.f32 v48, v2;
	vm7 =	vlt.f32 v49, v3;
	vm1 =	vmand vm4, vm5  }
0xac: {  	vm8 =	vlt.f32 v48, v2;
	vm2 =	vmand vm6, vm7;
	vm0 =	vmor vm15, vm1  }
0xad: {  	v54 =	vld [tilespmem:$0x2880];
	v6 =	vunpack.c.0.s8.s32 v6;
	vm1 =	vmor vm8, vm2;
	v0 =	vsel vm0, v46, v0  }
0xae: {  	v55 =	vld [tilespmem:$0x2900];
	v1 =	vsel vm0, v47, v1;
	v2 =	vsel vm1, v48, v2;
	v3 =	vsel vm1, v49, v3  }
0xaf: {  	v56 =	vld [tilespmem:$0x2980];
	vm9 =	vgt.f32 v50, v0;
	vm10 =	veq.f32 v50, v0;
	vm11 =	vlt.f32 v51, v1  }
0xb0: {  	v57 =	vld [tilespmem:$0x2A00];
	vm12 =	veq.f32 v52, v2;
	vm13 =	vlt.f32 v53, v3;
	vm1 =	vmand vm10, vm11  }
0xb1: {  	vm14 =	vlt.f32 v52, v2;
	vm2 =	vmand vm12, vm13;
	vm0 =	vmor vm9, vm1  }
0xb2: {  	v58 =	vld [tilespmem:$0x2A80];
	v42 =	vunpack.c.l.s4.s8 v41;
	vm1 =	vmor vm14, vm2;
	v0 =	vsel vm0, v50, v0  }
0xb3: {  	v59 =	vld [tilespmem:$0x2B00];
	v1 =	vsel vm0, v51, v1;
	v2 =	vsel vm1, v52, v2;
	v3 =	vsel vm1, v53, v3  }
0xb4: {  	v60 =	vld [tilespmem:$0x2B80];
	vm15 =	vgt.f32 v54, v0;
	vm4 =	veq.f32 v54, v0;
	vm5 =	vlt.f32 v55, v1  }
0xb5: {  	v61 =	vld [tilespmem:$0x2C00];
	vm6 =	veq.f32 v56, v2;
	vm7 =	vlt.f32 v57, v3;
	vm1 =	vmand vm4, vm5  }
0xb6: {  	vm8 =	vlt.f32 v56, v2;
	vm2 =	vmand vm6, vm7;
	vm0 =	vmor vm15, vm1  }
0xb7: {  	v62 =	vld [tilespmem:$0x2C80];
	v8 =	vand.u32 $0xF, v8;
	vm1 =	vmor vm8, vm2;
	v0 =	vsel vm0, v54, v0  }
0xb8: {  	v63 =	vld [tilespmem:$0x2D00];
	v1 =	vsel vm0, v55, v1;
	v2 =	vsel vm1, v56, v2;
	v3 =	vsel vm1, v57, v3  }
0xb9: {  	v12 =	vld [tilespmem:$0x2D80];
	vm9 =	vgt.f32 v58, v0;
	vm10 =	veq.f32 v58, v0;
	vm11 =	vlt.f32 v59, v1  }
0xba: {  	v13 =	vld [tilespmem:$0x2E00];
	vm12 =	veq.f32 v60, v2;
	vm13 =	vlt.f32 v61, v3;
	vm1 =	vmand vm10, vm11  }
0xbb: {  	vm14 =	vlt.f32 v60, v2;
	vm2 =	vmand vm12, vm13;
	vm0 =	vmor vm9, vm1  }
0xbc: {  	v14 =	vld [tilespmem:$0x2E80];
	v8 =	vcombine.low v8, v9;
	vm1 =	vmor vm14, vm2;
	v0 =	vsel vm0, v58, v0  }
0xbd: {  	v15 =	vld [tilespmem:$0x2F00];
	v1 =	vsel vm0, v59, v1;
	v2 =	vsel vm1, v60, v2;
	v3 =	vsel vm1, v61, v3  }
0xbe: {  	v16 =	vld [tilespmem:$0x2F80];
	vm15 =	vgt.f32 v62, v0;
	vm4 =	veq.f32 v62, v0;
	vm5 =	vlt.f32 v63, v1  }
0xbf: {  	v17 =	vld [tilespmem:$0x3000];
	vm6 =	veq.f32 v12, v2;
	vm7 =	vlt.f32 v13, v3;
	vm1 =	vmand vm4, vm5  }
0xc0: {  	vm8 =	vlt.f32 v12, v2;
	vm2 =	vmand vm6, vm7;
	vm0 =	vmor vm15, vm1  }
0xc1: {  	v18 =	vld [tilespmem:$0x3080];
	v7 =	vunpack.c.0.s8.s32 v42;
	vm1 =	vmor vm8, vm2;
	v0 =	vsel vm0, v62, v0  }
0xc2: {  	v19 =	vld [tilespmem:$0x3100];
	v1 =	vsel vm0, v63, v1;
	v2 =	vsel vm1, v12, v2;
	v3 =	vsel vm1, v13, v3  }
0xc3: {  	v20 =	vld [tilespmem:$0x3180];
	vm9 =	vgt.f32 v14, v0;
	vm10 =	veq.f32 v14, v0;
	vm11 =	vlt.f32 v15, v1  }
0xc4: {  	v21 =	vld [tilespmem:$0x3200];
	vm12 =	veq.f32 v16, v2;
	vm13 =	vlt.f32 v17, v3;
	vm1 =	vmand vm10, vm11  }
0xc5: {  	vm14 =	vlt.f32 v16, v2;
	vm2 =	vmand vm12, vm13;
	vm0 =	vmor vm9, vm1  }
0xc6: {  	v22 =	vld [tilespmem:$0x3280];
	v44 =	vcombine.low v7, v6;
	vm1 =	vmor vm14, vm2;
	v0 =	vsel vm0, v14, v0  }
0xc7: {  	v23 =	vld [tilespmem:$0x3300];
	v1 =	vsel vm0, v15, v1;
	v2 =	vsel vm1, v16, v2;
	v3 =	vsel vm1, v17, v3  }
0xc8: {  	v24 =	vld [tilespmem:$0x3380];
	vm15 =	vgt.f32 v18, v0;
	vm4 =	veq.f32 v18, v0;
	vm5 =	vlt.f32 v19, v1  }
0xc9: {  	v25 =	vld [tilespmem:$0x3400];
	vm6 =	veq.f32 v20, v2;
	vm7 =	vlt.f32 v21, v3;
	vm1 =	vmand vm4, vm5  }
0xca: {  	vm8 =	vlt.f32 v20, v2;
	vm2 =	vmand vm6, vm7;
	vm0 =	vmor vm15, vm1  }
0xcb: {  	v26 =	vld [tilespmem:$0x3480];
	v48 =	vimm.s32 $0x10FEDCBA;
	vm1 =	vmor vm8, vm2;
	v0 =	vsel vm0, v18, v0  }
0xcc: {  	v27 =	vld [tilespmem:$0x3500];
	v1 =	vsel vm0, v19, v1;
	v2 =	vsel vm1, v20, v2;
	v3 =	vsel vm1, v21, v3  }
0xcd: {  	v28 =	vld [tilespmem:$0x3580];
	vm9 =	vgt.f32 v22, v0;
	vm10 =	veq.f32 v22, v0;
	vm11 =	vlt.f32 v23, v1  }
0xce: {  	v29 =	vld [tilespmem:$0x3600];
	vm12 =	veq.f32 v24, v2;
	vm13 =	vlt.f32 v25, v3;
	vm1 =	vmand vm10, vm11  }
0xcf: {  	vm14 =	vlt.f32 v24, v2;
	vm2 =	vmand vm12, vm13;
	vm0 =	vmor vm9, vm1  }
0xd0: {  	v30 =	vld [tilespmem:$0x3680];
	v49 =	vimm.s32 $0x98765432;
	vm1 =	vmor vm14, vm2;
	v0 =	vsel vm0, v22, v0  }
0xd1: {  	v31 =	vld [tilespmem:$0x3700];
	v1 =	vsel vm0, v23, v1;
	v2 =	vsel vm1, v24, v2;
	v3 =	vsel vm1, v25, v3  }
0xd2: {  	v32 =	vld [tilespmem:$0x3780];
	vm15 =	vgt.f32 v26, v0;
	vm5 =	veq.f32 v26, v0;
	vm6 =	vlt.f32 v27, v1  }
0xd3: {  	v33 =	vld [tilespmem:$0x3800];
	vm7 =	veq.f32 v28, v2;
	vm8 =	vlt.f32 v29, v3;
	vm1 =	vmand vm5, vm6  }
0xd4: {  	vm10 =	vlt.f32 v28, v2;
	vm9 =	vmand vm7, vm8;
	vm0 =	vmor vm15, vm1  }
0xd5: {  	v9 =	vunpack.c.l.s4.s8 v49;
	vm11 =	vmor vm10, vm9;
	v0 =	vsel vm0, v26, v0  }
0xd6: {  	v34 =	vld [tilespmem:$0x3880];
	v1 =	vsel vm0, v27, v1;
	v2 =	vsel vm11, v28, v2;
	v3 =	vsel vm11, v29, v3  }
0xd7: {  	v35 =	vld [tilespmem:$0x3900];
	vm12 =	veq.f32 v30, v0;
	vm13 =	vlt.f32 v31, v1;
	vm14 =	vgt.f32 v30, v0  }
0xd8: {  	v36 =	vld [tilespmem:$0x3980];
	vm15 =	veq.f32 v32, v2;
	vm6 =	vlt.f32 v33, v3;
	vm1 =	vmand vm12, vm13  }
0xd9: {  	v37 =	vld [tilespmem:$0x3A00];
	vm7 =	vlt.f32 v32, v2;
	vm0 =	vmor vm14, vm1;
	vm1 =	vmand vm15, vm6  }
0xda: {  	v9 =	vunpack.c.0.s8.s32 v9;
	v50 =	vimm.s32 $0xFEDCBA9;
	vm8 =	vmor vm7, vm1  }
0xdb: {  	v0 =	vsel vm0, v30, v0;
	v1 =	vsel vm0, v31, v1;
	v2 =	vsel vm8, v32, v2  }
0xdc: {  	vm9 =	veq.f32 v34, v0;
	vm10 =	vlt.f32 v35, v1;
	vm11 =	vgt.f32 v34, v0  }
0xdd: {  	v3 =	vsel vm8, v33, v3;
	vm1 =	vmand vm9, vm10;
	vm13 =	veq.f32 v36, v2  }
0xde: {  	vm14 =	vlt.f32 v37, v3;
	vm15 =	vlt.f32 v36, v2;
	vm12 =	vmor vm11, vm1  }
0xdf: {  	vm1 =	vmand vm13, vm14;
	v0 =	vsel vm12, v34, v0;
	v1 =	vsel vm12, v35, v1  }
0xe0: {  	vm1 =	vmor vm15, vm1;
	v4 =	vperm.xlane v0, v8;
	v5 =	vperm.xlane v1, v8  }
0xe1: {  	v51 =	vimm.s32 $0x87654321;
	v2 =	vsel vm1, v36, v2;
	v3 =	vsel vm1, v37, v3  }
0xe2: {  	v43 =	vperm.xlane v2, v8;
	vm7 =	veq.f32 v4, v0;
	vm8 =	vlt.f32 v5, v1  }
0xe3: {  	v8 =	vperm.xlane v3, v8;
	vm6 =	vgt.f32 v4, v0;
	vm1 =	vmand vm7, vm8  }
0xe4: {  	v10 =	vunpack.c.l.s4.s8 v51;
	vm9 =	veq.f32 v43, v2;
	vm0 =	vmor vm6, vm1  }
0xe5: {  	vm10 =	vlt.f32 v8, v3;
	vm11 =	vlt.f32 v43, v2;
	v0 =	vsel vm0, v4, v0  }
0xe6: {  	v1 =	vsel vm0, v5, v1;
	vm0 =	vmand vm9, vm10;
	v4 =	vand.u32 $0xF, v44  }
0xe7: {  	v54 =	vunpack.c.0.s8.s32 v10;
	vm0 =	vmor vm11, vm0;
	v45 =	vperm.xlane v0, v4  }
0xe8: {  	v46 =	vperm.xlane v1, v4;
	v2 =	vsel vm0, v43, v2;
	v3 =	vsel vm0, v8, v3  }
0xe9: {  	v8 =	vunpack.c.l.s4.s8 v48;
	vm12 =	veq.f32 v45, v0;
	v47 =	vperm.xlane v2, v4  }
0xea: {  	vm13 =	vlt.f32 v46, v1;
	v4 =	vperm.xlane v3, v4;
	vm14 =	vgt.f32 v45, v0  }
0xeb: {  	vm0 =	vmand vm12, vm13;
	v8 =	vunpack.c.0.s8.s32 v8;
	vm15 =	veq.f32 v47, v2  }
0xec: {  	vm6 =	vlt.f32 v4, v3;
	vm0 =	vmor vm14, vm0;
	vm7 =	vlt.f32 v47, v2  }
0xed: {  	vm1 =	vmand vm15, vm6;
	v8 =	vcombine.low v9, v8;
	v9 =	vunpack.c.l.s4.s8 v50  }
0xee: {  	v0 =	vsel vm0, v45, v0;
	v1 =	vsel vm0, v46, v1;
	vm1 =	vmor vm7, vm1  }
0xef: {  	v52 =	vand.u32 $0xF, v8;
	v53 =	vunpack.c.0.s8.s32 v9;
	v2 =	vsel vm1, v47, v2  }
0xf0: {  	v3 =	vsel vm1, v4, v3;
	v55 =	vperm.xlane v0, v52;
	v56 =	vperm.xlane v1, v52  }
0xf1: {  	v58 =	vperm.xlane v2, v52;
	v5 =	vperm.xlane v3, v52  }
0xf2: {  	v57 =	vcombine.low v54, v53;
	vm8 =	vgt.f32 v55, v0;
	vm9 =	veq.f32 v55, v0  }
0xf3: {  	vm10 =	vlt.f32 v56, v1;
	vm11 =	veq.f32 v58, v2;
	vm12 =	vlt.f32 v5, v3  }
0xf4: {  	vm14 =	vlt.f32 v58, v2;
	vm1 =	vmand vm9, vm10;
	vm13 =	vmand vm11, vm12  }
0xf5: {  	v59 =	vand.u32 $0xF, v57;
	vm11 =	vcmask $0x3F24;
	vm0 =	vmor vm8, vm1  }
0xf6: {  	vm12 =	vcmask $0x1F04;
	vm1 =	vmor vm14, vm13;
	v0 =	vsel vm0, v55, v0  }
0xf7: {  	v2 =	vsel vm1, v58, v2;
	v3 =	vsel vm1, v5, v3;
	v60 =	vperm.xlane v0, v59  }
0xf8: {  	v1 =	vsel vm0, v56, v1;
	v7 =	vperm.xlane v2, v59;
	v4 =	vperm.xlane v3, v59  }
0xf9: {  	vm13 =	vmor vm12, vm11;
	v61 =	vperm.xlane v1, v59  }
0xfa: {  	vm4 =	veq.f32 v60, v0;
	vm6 =	veq.f32 v7, v2;
	vm7 =	vlt.f32 v4, v3  }
0xfb: {  	vm5 =	vlt.f32 v61, v1;
	vm9 =	vlt.f32 v7, v2;
	vm8 =	vmand vm6, vm7  }
0xfc: {  	vm15 =	vgt.f32 v60, v0;
	vm1 =	vmand vm4, vm5;
	vm10 =	vmor vm9, vm8  }
0xfd: {  	vm14 =	vmmov $0x1;
	vm0 =	vmor vm15, vm1;
	v3 =	vsel vm10, v4, v3  }
0xfe: {  	vm15 =	vcmask $0x3F08;
	v1 =	vsel vm0, v61, v1;
	v3 =	vtrunc.f32 v3  }
0xff: {  	v2 =	vsel vm10, v7, v2;
	v1 =	vtrunc.f32 v1;
	v3 =	vcvt.f32.s32 v3  }
0x100: {  	v0 =	vsel vm0, v60, v0;
	v2 =	vsel vm13, $0x0, v2;
	v1 =	vcvt.f32.s32 v1  }
0x101: {  	v0 =	vsel vm14, v0, v2;
	v62 =	vsel vm15, $0x0, v3  }
0x102: {  	[tilespmem:$0x3B00] =	vst v0;
	v63 =	vsel vm14, v1, v62  }
0x103: {  	s23 =	simm.s32 $0x3B00;
	[tilespmem:$0x3A80] =	vst v63  }
0x104: {  	[hbm4b:s4+s6] =	stream.linear.scatter [tilespmem:s23], [sflag:$0x1], $0x1, $0x38;
	[tilespmem:$0x4380] =	vst v63  }
0x105: {  	s24 =	simm.s32 $0x3B08;
	s25 =	simm.s32 $0x10  }
0x106: {  	[hbm4b:s5+s6] =	stream.linear.scatter [tilespmem:s24], [sflag:$0x1], $0x1, $0x38;
	[tilespmem:$0x4380] =	vst v63  }
0x107: {  	s26 =	simm.s32 $0x3A80;
	s28 =	simm.s32 $0x3B80;
	s29 =	simm.s32 $0x2  }
0x108: {  	[tilespmem:s28], [sflag:$0x2] =	stream.indirect.gather [hbm4b:s3+s25], $0x80, s26, s25, $0xb8;
	[tilespmem:$0x4380] =	vst v63  }
0x109: {  	_ =	swait.ge [sflag:s29], $0x800  }
0x10a: {  	[sflag:s29] =	ssyncset.done $0x0  }
0x10b: {  	[sflag:s29] =	ssyncadd.s32 $0xFFFFF800  }
0x10c: {  	[hbm4b:s1+s6] =	stream.linear.scatter [tilespmem:s28], [sflag:$0x1], $0x80, $0x38;
	[tilespmem:$0x4380] =	vst v63  }
0x10d: {  	s30 =	simm.s32 $0x3C00;
	s31 =	simm.s32 $0x1  }
0x10e: {  	[hbm4b:s2+s6] =	stream.linear.scatter [tilespmem:s30], [sflag:$0x1], $0x80, $0x38;
	[tilespmem:$0x4380] =	vst v63  }
0x10f: {  	_ =	swait.ge [sflag:s31], $0x1  }
0x110: {  	[sflag:s31] =	ssyncset.done $0x0  }
0x111: {  	[sflag:s31] =	ssyncadd.s32 $0xFFFFFFFF  }
0x112: {  	_ =	swait.ge [sflag:s31], $0x1  }
0x113: {  	[sflag:s31] =	ssyncset.done $0x0  }
0x114: {  	[sflag:s31] =	ssyncadd.s32 $0xFFFFFFFF  }
0x115: {  	_ =	swait.ge [sflag:s31], $0x80  }
0x116: {  	[sflag:s31] =	ssyncset.done $0x0  }
0x117: {  	[sflag:s31] =	ssyncadd.s32 $0xFFFFFF80  }
0x118: {  	_ =	swait.ge [sflag:s31], $0x80  }
0x119: {  	[sflag:s31] =	ssyncset.done $0x0  }
0x11a: {  	[sflag:s31] =	ssyncadd.s32 $0xFFFFFF80  }
0x11b: {  	_ =	sfence.sel $0x180000  }
0x11c: {  	[bflag:$0x0] =	sbarrier.arrive $0xFFFF  }
0x11d: {  	_ =	strace $0x90000047  }
0x11e: {  	s0 =	sadd.s32 $0x100000, s0;
	[bflag:$0x2] =	sbarrier.arrive $0xFFFF  }
0x11f: {  	[sflag:s0] =	ssyncadd.tile.s32 $0x1;
	_ =	shalt  }
.LBB2_4:
.Ltmp7:
0x120: {  	(pc) =	sbr.rel .LBB2_8-.Ltmp7, $2  }
0x121: {  	_ =	sdelay $0x2  }
0x122: {  	v18 =	vmovc v2;
	v19 =	vmov v11;
	v21 =	vmov v3;
	v20 =	vmov v6  }
.LBB2_10:
.Ltmp8:
0x123: {  	(pc) =	sbr.rel .LBB2_8-.Ltmp8, $2  }
0x124: {  	_ =	sdelay $0x2  }
0x125: {  	s14 =	smov.u32 s13  }
.Lfunc_end2:
_tile_overlayer_lowered:
.L_overlay_start_2:
0x126: {  	(tag) =	ssettag $0x2  }
0x127: {  	s0 =	rddreg [dreg:$0x0];
	s2 =	stileid.u32  }
0x128: {  	s1 =	rddreg [dreg:$0x1];
	p0 =	sne.s32 s2, $0x0  }
0x129: {  	s3 =	rddreg [dreg:$0x2];
	[bflag:$0x3] =	sbarrier.arrive $0xFFFF;
	s2 =	simm.s32 @!p0 $0x1C03  }
0x12a: {  	[timem:s3], [sflag:s2] =	dma.local @!p0 [hbm:s0], s1  }
0x12b: {  	s0 =	simm.s32 @!p0 $0x3  }
0x12c: {  	_ =	swait.ge @!p0 [sflag:s0], s1  }
0x12d: {  	s1 =	ssub.s32 @!p0 $0x0, s1;
	[sflag:s0] =	ssyncset.done @!p0 $0x0  }
0x12e: {  	[sflag:s0] =	ssyncadd.s32 @!p0 s1  }
0x12f: {  	[bflag:$0x3] =	sbarrier.arrive $0xFFFF  }
0x130: {  	_ =	shalt  }

</sc_bundles>
